<compile_context>
chip_gen: v7x
topology: tpu7x:2x2x1
jax: 0.10.2.dev20260603
libtpu: 0.0.44.dev20260713+nightly
codegen_flags: <defaults>
</compile_context>

<pallas_src>
import functools

import jax
import jax.numpy as jnp
from jax import lax
from jax.experimental import pallas as pl
from jax.experimental.pallas import tpu as pltpu
from jax.experimental.pallas import tpu_sc as plsc

_NMS_THR = 0.7
_NUM_INIT = 5000
_PAD = 5120
_MAX_FINAL = 50
_ROUNDS = 49
_NEG = -1.0e30
_ALIVE_THR = -1.0e29
_IMG_HW = 512.0
_MIN_SIDE = _IMG_HW * 0.1

_NTILE = 8
_CHUNK = _PAD // _NTILE
_NCH = _CHUNK // 16


def _sc_nms_body(pkg_hbm, npb_hbm, out_hbm,
                 pkg_v, geo_v, cand_v, all16_v, out_v, npb_v, shared):
    sid = lax.axis_index("s")
    cid = lax.axis_index("c")
    grp = sid // _NTILE
    img = cid * 2 + grp
    g = sid % _NTILE
    base = grp * _NTILE
    obase = _NTILE - base

    pltpu.sync_copy(pkg_hbm.at[img * _NTILE + g], pkg_v)
    pltpu.sync_copy(npb_hbm, npb_v)

    iota16 = lax.iota(jnp.int32, 16)
    npbf = npb_v[...].astype(jnp.float32)
    npb = jnp.max(jnp.where(iota16 == img, npbf, 0.0)).astype(jnp.int32)
    oimg = cid * 2 + (1 - grp)
    npb_oth = jnp.max(jnp.where(iota16 == oimg, npbf, 0.0)).astype(jnp.int32)

    def geo(k, _):
        sl = pl.ds(k * 16, 16)
        r0 = pkg_v[pl.ds(k * 16, 16)]
        r1 = pkg_v[pl.ds(_CHUNK + k * 16, 16)]
        r2 = pkg_v[pl.ds(2 * _CHUNK + k * 16, 16)]
        r3 = pkg_v[pl.ds(3 * _CHUNK + k * 16, 16)]
        s = pkg_v[pl.ds(4 * _CHUNK + k * 16, 16)]
        x1 = jnp.minimum(r0, r2) * _IMG_HW
        x2 = jnp.maximum(r0, r2) * _IMG_HW
        y1 = jnp.minimum(r1, r3) * _IMG_HW
        y2 = jnp.maximum(r1, r3) * _IMG_HW
        w = x2 - x1
        h = y2 - y1
        valid = (h > _MIN_SIDE) & (w > _MIN_SIDE)
        geo_v[pl.ds(k * 16, 16)] = x1
        geo_v[pl.ds(_CHUNK + k * 16, 16)] = y1
        geo_v[pl.ds(2 * _CHUNK + k * 16, 16)] = x2
        geo_v[pl.ds(3 * _CHUNK + k * 16, 16)] = y2
        geo_v[pl.ds(4 * _CHUNK + k * 16, 16)] = w * h
        geo_v[pl.ds(5 * _CHUNK + k * 16, 16)] = jnp.where(valid, s, _NEG)
        return 0

    lax.fori_loop(0, _NCH, geo, 0, unroll=4)

    zeros16 = jnp.zeros((16,), jnp.float32)

    def zr(t, _):
        out_v[pl.ds(t * 16, 16)] = zeros16
        return 0

    lax.fori_loop(0, _MAX_FINAL, zr, 0, unroll=4)

    offs = (jnp.where(iota16 == 2, 0, 0)
            + jnp.where(iota16 == 3, _CHUNK, 0)
            + jnp.where(iota16 == 4, 2 * _CHUNK, 0)
            + jnp.where(iota16 == 5, 3 * _CHUNK, 0)
            + jnp.where(iota16 == 6, 4 * _CHUNK, 0))

    def cond(carry):
        return carry[0]

    def rnd(carry):
        cont, t, bx1, by1, bx2, by2, barea, sup_en, cnt = carry
        sup_b = sup_en > 0.5

        def chunk(k, mc):
            m_v, a_v = mc
            x1c = geo_v[pl.ds(k * 16, 16)]
            y1c = geo_v[pl.ds(_CHUNK + k * 16, 16)]
            x2c = geo_v[pl.ds(2 * _CHUNK + k * 16, 16)]
            y2c = geo_v[pl.ds(3 * _CHUNK + k * 16, 16)]
            ac = geo_v[pl.ds(4 * _CHUNK + k * 16, 16)]
            sc = geo_v[pl.ds(5 * _CHUNK + k * 16, 16)]
            xx1 = jnp.maximum(x1c, bx1)
            yy1 = jnp.maximum(y1c, by1)
            xx2 = jnp.minimum(x2c, bx2)
            yy2 = jnp.minimum(y2c, by2)
            inter = (jnp.maximum(xx2 - xx1, 0.0)
                     * jnp.maximum(yy2 - yy1, 0.0))
            iou = inter / (ac + barea - inter + 1e-9)
            snew = jnp.where((iou > _NMS_THR) & sup_b, _NEG, sc)
            geo_v[pl.ds(5 * _CHUNK + k * 16, 16)] = snew
            take = snew > m_v
            m_v = jnp.where(take, snew, m_v)
            a_v = jnp.where(take, (k * 16 + iota16).astype(jnp.float32), a_v)
            return m_v, a_v

        m_v, a_v = lax.fori_loop(
            0, _NCH, chunk,
            (jnp.full((16,), _NEG, jnp.float32),
             jnp.zeros((16,), jnp.float32)), unroll=8)

        m = jnp.max(m_v)
        am_f = jnp.min(jnp.where(m_v == m, a_v, jnp.float32(1e30)))
        am = jnp.minimum(am_f.astype(jnp.int32), _CHUNK - 1)
        gath = plsc.load_gather(geo_v, [am + offs])
        cand = jnp.where(iota16 == 0, m, gath)
        cand = jnp.where(iota16 == 1,
                         (g * _CHUNK + am).astype(jnp.float32), cand)
        cand_v[...] = cand
        bank = lax.rem(t, 2) * 256
        pltpu.sync_copy(cand_v, shared.at[pl.ds(bank + sid * 16, 16)])
        plsc.subcore_barrier()
        pltpu.sync_copy(shared.at[pl.ds(bank, 256)], all16_v)

        mv = plsc.load_gather(all16_v, [iota16 * 16])
        iv = plsc.load_gather(all16_v, [iota16 * 16 + 1])
        own = (iota16 >= base) & (iota16 < base + _NTILE)
        mown = jnp.where(own, mv, _NEG)
        oth_m = jnp.max(jnp.where(own, _NEG, mv))
        best_m = jnp.max(mown)
        best_i = jnp.min(jnp.where(mown == best_m, iv, jnp.float32(1e30)))
        lane_f = iota16.astype(jnp.float32)
        j_f = jnp.min(jnp.where((mown == best_m) & (iv == best_i),
                                lane_f, jnp.float32(1e30)))
        jrow = jnp.minimum(j_f.astype(jnp.int32), 15)
        row = plsc.load_gather(all16_v, [jrow * 16 + iota16])
        nx1 = row[2]
        ny1 = row[3]
        nx2 = row[4]
        ny2 = row[5]
        nar = row[6]

        alive = best_m > _ALIVE_THR
        alive_f = jnp.where(alive, 1.0, 0.0).astype(jnp.float32)
        write_f = jnp.where(alive & (t < npb), 1.0, 0.0).astype(jnp.float32)
        vec = jnp.where(iota16 == 0, nx1, 0.0)
        vec = jnp.where(iota16 == 1, ny1, vec)
        vec = jnp.where(iota16 == 2, nx2, vec)
        vec = jnp.where(iota16 == 3, ny2, vec)
        out_v[pl.ds(t * 16, 16)] = vec * write_f
        cnt = cnt + alive.astype(jnp.int32)
        need_own = alive & (t + 1 < npb)
        need_oth = (oth_m > _ALIVE_THR) & (t + 1 < npb_oth)
        cont2 = (need_own | need_oth) & (t + 1 < _ROUNDS)
        return (cont2, t + 1, nx1, ny1, nx2, ny2, nar, alive_f, cnt)

    z = jnp.float32(0.0)
    carry = (jnp.bool_(True), jnp.int32(0), z, z, z, z, z, z, jnp.int32(0))
    carry = lax.while_loop(cond, rnd, carry)
    cnt = carry[8]

    n_final = jnp.minimum(cnt, npb)
    plsc.store_scatter(out_v, [_MAX_FINAL * 16 + iota16],
                       jnp.full((16,), n_final.astype(jnp.float32)))

    @pl.when(g == 0)
    def _():
        pltpu.sync_copy(out_v, out_hbm.at[img])


def _split_body(a_ref, b_ref, o1_ref, o2_ref):
    o1_ref[...] = a_ref[...]
    o2_ref[...] = b_ref[...]


@functools.partial(jax.jit, static_argnames=())
def kernel(img, rand_boxes_init, pseudo_scores, num_boxes_per_img):
    nimg = img.shape[0]
    n = rand_boxes_init.shape[1]

    ch = img.shape[1] // 2
    hw = img.shape[2:]
    img_1, img_2 = pl.pallas_call(
        _split_body,
        grid=(nimg, ch),
        in_specs=[
            pl.BlockSpec((1, 1) + hw, lambda i, c: (i, c, 0, 0)),
            pl.BlockSpec((1, 1) + hw, lambda i, c, _ch=ch: (i, c + _ch, 0, 0)),
        ],
        out_specs=[
            pl.BlockSpec((1, 1) + hw, lambda i, c: (i, c, 0, 0)),
            pl.BlockSpec((1, 1) + hw, lambda i, c: (i, c, 0, 0)),
        ],
        out_shape=[
            jax.ShapeDtypeStruct((nimg, ch) + hw, img.dtype),
            jax.ShapeDtypeStruct((nimg, ch) + hw, img.dtype),
        ],
    )(img, img)

    rt = jnp.moveaxis(rand_boxes_init, 2, 1)
    rt = jnp.pad(rt, ((0, 0), (0, 0), (0, _PAD - n)))
    sc = jnp.pad(pseudo_scores, ((0, 0), (0, _PAD - n)))
    pkg = jnp.concatenate([rt, sc[:, None, :]], axis=1)
    pkg = pkg.reshape(nimg, 5, _NTILE, _CHUNK)
    pkg = jnp.moveaxis(pkg, 1, 2).reshape(nimg * _NTILE, 5 * _CHUNK)
    npb16 = jnp.pad(num_boxes_per_img, (0, 16 - nimg))

    mesh = plsc.VectorSubcoreMesh(core_axis_name="c", subcore_axis_name="s")
    out_flat = pl.kernel(
        _sc_nms_body,
        out_type=jax.ShapeDtypeStruct((nimg, 1024), jnp.float32),
        mesh=mesh,
        compiler_params=pltpu.CompilerParams(needs_layout_passes=False),
        scratch_types=[
            pltpu.VMEM((5 * _CHUNK,), jnp.float32),
            pltpu.VMEM((6 * _CHUNK,), jnp.float32),
            pltpu.VMEM((16,), jnp.float32),
            pltpu.VMEM((256,), jnp.float32),
            pltpu.VMEM((1024,), jnp.float32),
            pltpu.VMEM((16,), jnp.int32),
            pltpu.VMEM_SHARED((512,), jnp.float32),
        ],
    )(pkg, npb16)

    rand_box_1 = out_flat[:, :_MAX_FINAL * 16].reshape(
        nimg, _MAX_FINAL, 16)[:, :, :4]
    counts = out_flat[:, _MAX_FINAL * 16].astype(jnp.int32)

    return (rand_box_1, rand_box_1, img_1, img_2, counts)

# --- scband reference (transcript-rebuilt; emitter-appended) ---
"""Pipeline reference for scband-rand-box-40123584479633 (READ-ONLY COPY).

The authoritative reference and input builder live on the scoring server;
editing this copy changes nothing except your own understanding.
"""

import jax, jax.numpy as jnp
import numpy as np
from jax import lax

NMS_THR = 0.7
NUM_INIT = 5000
NUM_IMG = 4
MIN_SCALE = 0.1
MIN_FINAL = 5
MAX_FINAL = 50


def setup_inputs(seed: int = 0):
    key = jax.random.key(seed)
    k1, k2, k3, k4 = jax.random.split(key, 4)
    img = jax.random.normal(k1, (NUM_IMG, 6, 512, 512), dtype=jnp.float32)
    rand_boxes_init = jax.random.uniform(k2, (NUM_IMG, NUM_INIT, 4), dtype=jnp.float32)
    pseudo_scores = jax.random.uniform(k3, (NUM_IMG, NUM_INIT), dtype=jnp.float32)
    num_boxes_per_img = jax.random.randint(k4, (NUM_IMG,), MIN_FINAL, MAX_FINAL, dtype=jnp.int32)
    return {"img": img, "rand_boxes_init": rand_boxes_init, "pseudo_scores": pseudo_scores, "num_boxes_per_img": num_boxes_per_img}


def _iou_matrix(boxes):
    x1, y1, x2, y2 = boxes[:, 0], boxes[:, 1], boxes[:, 2], boxes[:, 3]
    areas = (x2 - x1) * (y2 - y1)
    xx1 = jnp.maximum(x1[:, None], x1[None, :])
    yy1 = jnp.maximum(y1[:, None], y1[None, :])
    xx2 = jnp.minimum(x2[:, None], x2[None, :])
    yy2 = jnp.minimum(y2[:, None], y2[None, :])
    inter = jnp.clip(xx2 - xx1, 0.0) * jnp.clip(yy2 - yy1, 0.0)
    return inter / (areas[:, None] + areas[None, :] - inter + 1e-9)


def _nms_keep(iou, valid, thr):
    N = iou.shape[0]
    iou = lax.stop_gradient(iou)
    ar = jnp.arange(N)

    def body(keep, i):
        sup = (iou[i] > thr) & keep[i] & (ar > i)
        return keep & (~sup), None

    keep, _ = lax.scan(body, valid, jnp.arange(N))
    return keep


def _forward(img, rand_boxes_init, pseudo_scores, num_boxes_per_img):
    num_img = img.shape[0]
    H, W = img.shape[2], img.shape[3]
    img_1 = img[:, :3, :, :]
    img_2 = img[:, 3:, :, :]
    r = rand_boxes_init
    # sort corners so (x1,y1) is top-left, (x2,y2) is bottom-right, then scale to image shape
    x1 = jnp.minimum(r[..., 0], r[..., 2]) * W
    x2 = jnp.maximum(r[..., 0], r[..., 2]) * W
    y1 = jnp.minimum(r[..., 1], r[..., 3]) * H
    y2 = jnp.maximum(r[..., 1], r[..., 3]) * H
    boxes = jnp.stack([x1, y1, x2, y2], axis=-1)
    min_height = H * MIN_SCALE
    min_width = W * MIN_SCALE
    valid_size = ((y2 - y1) > min_height) & ((x2 - x1) > min_width)
    N = boxes.shape[1]
    outs = []
    counts = []
    for i in range(num_img):
        b = boxes[i]
        # size-filtered boxes get -inf score so they sort last and never suppress
        s = jnp.where(valid_size[i], pseudo_scores[i], -jnp.inf)
        order = jnp.argsort(-s)
        b_sorted = b[order]
        v_sorted = valid_size[i][order]
        iou = _iou_matrix(b_sorted)
        keep = _nms_keep(iou, v_sorted, NMS_THR)
        idx = jnp.where(keep, jnp.arange(N), N)
        idx = jnp.sort(idx)[:MAX_FINAL]
        n_kept = jnp.sum(keep.astype(jnp.int32))
        n_final = jnp.minimum(n_kept, num_boxes_per_img[i])
        sel = jnp.take(b_sorted, jnp.clip(idx, 0, N - 1), axis=0)
        mask = (jnp.arange(MAX_FINAL) < n_final)[:, None].astype(b.dtype)
        outs.append(sel * mask)
        counts.append(n_final)
    rand_box_1 = jnp.stack(outs)
    counts = jnp.stack(counts)
    # flip=False path: rand_box_2 = rand_box_1, img_2 un-flipped
    return (rand_box_1, rand_box_1, img_1, img_2, counts)


def reference(img, rand_boxes_init, pseudo_scores, num_boxes_per_img):
    return _forward(img, rand_boxes_init, pseudo_scores, num_boxes_per_img)

if __name__ == "__main__":
    import jax
    _d = setup_inputs()
    print(jax.jit(kernel)(*tuple(_d.values())))

</pallas_src>

<mosaic_0001>
#map = affine_map<(d0, d1) -> (0, 0)>
#map1 = affine_map<(d0, d1) -> (0)>
module attributes {stable_mosaic.version = 14 : i64} {
  func.func @_sc_nms_body(%arg0: i32, %arg1: i32, %arg2: memref<32x3200xf32, #tpu.memory_space<hbm>>, %arg3: memref<16xi32, #tpu.memory_space<hbm>>, %arg4: memref<4x1024xf32, #tpu.memory_space<hbm>>, %arg5: memref<3200xf32, #tpu.memory_space<vmem>>, %arg6: memref<3840xf32, #tpu.memory_space<vmem>>, %arg7: memref<16xf32, #tpu.memory_space<vmem>>, %arg8: memref<256xf32, #tpu.memory_space<vmem>>, %arg9: memref<1024xf32, #tpu.memory_space<vmem>>, %arg10: memref<16xi32, #tpu.memory_space<vmem>>, %arg11: memref<512xf32, #tpu.memory_space<vmem_shared>>) attributes {dimension_semantics = [#tpu.dimension_semantics<core_parallel>, #tpu.dimension_semantics<subcore_parallel>], iteration_bounds = array<i64: 2, 16>, scalar_prefetch = 0 : i64, scratch_operands = 7 : i64, tpu.core_type = #tpu.core_type<sc_vector_subcore>, window_params = [{transform_indices = #map}, {transform_indices = #map1}, {transform_indices = #map}]} {
    %jit3A = arith.constant 8 : i32
    %div3A = arith.divsi %arg1, %jit3A : i32
    %sign3A = arith.constant 0 : i32
    %sign3A_0 = arith.cmpi sgt, %arg1, %sign3A : i32
    %sign3A_1 = arith.extui %sign3A_0 : i1 to i32
    %sign3A_2 = arith.constant 0 : i32
    %sign3A_3 = arith.cmpi slt, %arg1, %sign3A_2 : i32
    %sign3A_4 = arith.extui %sign3A_3 : i1 to i32
    %sign3A_5 = arith.subi %sign3A_1, %sign3A_4 : i32
    %sign3A_6 = arith.constant 0 : i32
    %sign3A_7 = arith.cmpi sgt, %jit3A, %sign3A_6 : i32
    %sign3A_8 = arith.extui %sign3A_7 : i1 to i32
    %sign3A_9 = arith.constant 0 : i32
    %sign3A_10 = arith.cmpi slt, %jit3A, %sign3A_9 : i32
    %sign3A_11 = arith.extui %sign3A_10 : i1 to i32
    %sign3A_12 = arith.subi %sign3A_8, %sign3A_11 : i32
    %ne3A = arith.cmpi ne, %sign3A_5, %sign3A_12 : i32
    %rem3A = arith.remsi %arg1, %jit3A : i32
    %ne3A_13 = arith.constant 0 : i32
    %ne3A_14 = arith.cmpi ne, %rem3A, %ne3A_13 : i32
    %and3A = arith.andi %ne3A, %ne3A_14 : i1
    %sub3A = arith.constant 1 : i32
    %sub3A_15 = arith.subi %div3A, %sub3A : i32
    %select_n3A = arith.select %and3A, %sub3A_15, %div3A : i32
    %mul3A = arith.constant 2 : i32
    %mul3A_16 = arith.muli %arg0, %mul3A : i32
    %add3A = arith.addi %mul3A_16, %select_n3A : i32
    %jit3A_17 = arith.constant 8 : i32
    %eq3A = arith.constant 0 : i32
    %eq3A_18 = arith.cmpi eq, %jit3A_17, %eq3A : i32
    %jit3A_19 = arith.constant 1 : i32
    %select_n3A_20 = arith.select %eq3A_18, %jit3A_19, %jit3A_17 : i32
    %rem3A_21 = arith.remsi %arg1, %select_n3A_20 : i32
    %ne3A_22 = arith.constant 0 : i32
    %ne3A_23 = arith.cmpi ne, %rem3A_21, %ne3A_22 : i32
    %lt3A = arith.constant 0 : i32
    %lt3A_24 = arith.cmpi slt, %rem3A_21, %lt3A : i32
    %lt3A_25 = arith.constant 0 : i32
    %lt3A_26 = arith.cmpi slt, %select_n3A_20, %lt3A_25 : i32
    %ne3A_27 = arith.xori %lt3A_24, %lt3A_26 : i1
    %and3A_28 = arith.andi %ne3A_27, %ne3A_23 : i1
    %add3A_29 = arith.addi %rem3A_21, %select_n3A_20 : i32
    %select_n3A_30 = arith.select %and3A_28, %add3A_29, %rem3A_21 : i32
    %mul3A_31 = arith.constant 8 : i32
    %mul3A_32 = arith.muli %select_n3A, %mul3A_31 : i32
    %sub3A_33 = arith.constant 8 : i32
    %sub3A_34 = arith.subi %sub3A_33, %mul3A_32 : i32
    %mul3A_35 = arith.constant 8 : i32
    %mul3A_36 = arith.muli %add3A, %mul3A_35 : i32
    %add3A_37 = arith.addi %mul3A_36, %select_n3A_30 : i32
    "tpu.region"() ({
      %run_scoped3A = tpu.sem_alloc : memref<!tpu.dma_semaphore, #tpu.memory_space<semaphore_mem>>
      %dma_start3A = arith.constant 0 : i32
      %dma_start3A_152 = tpu.memref_slice %arg2[%add3A_37, %dma_start3A] : memref<32x3200xf32, #tpu.memory_space<hbm>> -> memref<1x3200xf32, #tpu.memory_space<hbm>>
      %dma_start3A_153 = tpu.memref_squeeze %dma_start3A_152 : memref<1x3200xf32, #tpu.memory_space<hbm>> -> memref<3200xf32, #tpu.memory_space<hbm>>
      %dma_start3A_154 = arith.constant 0 : i32
      %dma_start3A_155 = tpu.memref_slice %arg2[%add3A_37, %dma_start3A_154] : memref<32x3200xf32, #tpu.memory_space<hbm>> -> memref<1x3200xf32, #tpu.memory_space<hbm>>
      %dma_start3A_156 = tpu.memref_squeeze %dma_start3A_155 : memref<1x3200xf32, #tpu.memory_space<hbm>> -> memref<3200xf32, #tpu.memory_space<hbm>>
      tpu.enqueue_dma source(%dma_start3A_156 : memref<3200xf32, #tpu.memory_space<hbm>>) target(%arg5 : memref<3200xf32, #tpu.memory_space<vmem>>) target_semaphore(%run_scoped3A : memref<!tpu.dma_semaphore, #tpu.memory_space<semaphore_mem>>)
      %dma_wait3A = arith.constant 0 : i32
      %dma_wait3A_157 = tpu.memref_slice %arg2[%add3A_37, %dma_wait3A] : memref<32x3200xf32, #tpu.memory_space<hbm>> -> memref<1x3200xf32, #tpu.memory_space<hbm>>
      %dma_wait3A_158 = tpu.memref_squeeze %dma_wait3A_157 : memref<1x3200xf32, #tpu.memory_space<hbm>> -> memref<3200xf32, #tpu.memory_space<hbm>>
      %dma_wait3A_159 = arith.constant 0 : i32
      %dma_wait3A_160 = tpu.memref_slice %arg2[%add3A_37, %dma_wait3A_159] : memref<32x3200xf32, #tpu.memory_space<hbm>> -> memref<1x3200xf32, #tpu.memory_space<hbm>>
      %dma_wait3A_161 = tpu.memref_squeeze %dma_wait3A_160 : memref<1x3200xf32, #tpu.memory_space<hbm>> -> memref<3200xf32, #tpu.memory_space<hbm>>
      tpu.wait_dma2 semaphore(%run_scoped3A : memref<!tpu.dma_semaphore, #tpu.memory_space<semaphore_mem>>) src(%dma_wait3A_161 : memref<3200xf32, #tpu.memory_space<hbm>>) dst(%arg5 : memref<3200xf32, #tpu.memory_space<vmem>>)
      tpu.yield
    }) : () -> ()
    "tpu.region"() ({
      %run_scoped3A = tpu.sem_alloc : memref<!tpu.dma_semaphore, #tpu.memory_space<semaphore_mem>>
      tpu.enqueue_dma source(%arg3 : memref<16xi32, #tpu.memory_space<hbm>>) target(%arg10 : memref<16xi32, #tpu.memory_space<vmem>>) target_semaphore(%run_scoped3A : memref<!tpu.dma_semaphore, #tpu.memory_space<semaphore_mem>>)
      tpu.wait_dma2 semaphore(%run_scoped3A : memref<!tpu.dma_semaphore, #tpu.memory_space<semaphore_mem>>) src(%arg3 : memref<16xi32, #tpu.memory_space<hbm>>) dst(%arg10 : memref<16xi32, #tpu.memory_space<vmem>>)
      tpu.yield
    }) : () -> ()
    %iota3A = tpu.iota {dimensions = array<i32: 0>} : vector<16xi32>
    %get3A = arith.constant 0 : index
    %get3A_38 = tpu.vector_load %arg10[%get3A] {strides = array<i32>} : memref<16xi32, #tpu.memory_space<vmem>>, vector<16xi32>,
    %convert_element_type3A = arith.sitofp %get3A_38 : vector<16xi32> to vector<16xf32>
    %eq3A_39 = vector.broadcast %add3A : i32 to vector<16xi32>
    %eq3A_40 = arith.cmpi eq, %iota3A, %eq3A_39 : vector<16xi32>
    %jit3A_41 = arith.constant 0.000000e+00 : f32
    %broadcast_in_dim3A = vector.broadcast %jit3A_41 : f32 to vector<16xf32>
    %select_n3A_42 = arith.select %eq3A_40, %convert_element_type3A, %broadcast_in_dim3A : vector<16xi1>, vector<16xf32>
    %reduce_max3A = arith.constant true
    %reduce_max3A_43 = vector.broadcast %reduce_max3A : i1 to vector<16xi1>
    %reduce_max3A_44 = tpu.scan <max>, %select_n3A_42 masked %reduce_max3A_43 : vector<16xf32>, vector<16xi1> -> vector<16xf32>
    %reduce_max3A_45 = vector.extract %reduce_max3A_44[15] : f32 from vector<16xf32>
    %convert_element_type3A_46 = arith.fptosi %reduce_max3A_45 : f32 to i32
    %mul3A_47 = arith.constant 2 : i32
    %mul3A_48 = arith.muli %arg0, %mul3A_47 : i32
    %sub3A_49 = arith.constant 1 : i32
    %sub3A_50 = arith.subi %sub3A_49, %select_n3A : i32
    %add3A_51 = arith.addi %mul3A_48, %sub3A_50 : i32
    %eq3A_52 = vector.broadcast %add3A_51 : i32 to vector<16xi32>
    %eq3A_53 = arith.cmpi eq, %iota3A, %eq3A_52 : vector<16xi32>
    %jit3A_54 = arith.constant 0.000000e+00 : f32
    %broadcast_in_dim3A_55 = vector.broadcast %jit3A_54 : f32 to vector<16xf32>
    %select_n3A_56 = arith.select %eq3A_53, %convert_element_type3A, %broadcast_in_dim3A_55 : vector<16xi1>, vector<16xf32>
    %reduce_max3A_57 = arith.constant true
    %reduce_max3A_58 = vector.broadcast %reduce_max3A_57 : i1 to vector<16xi1>
    %reduce_max3A_59 = tpu.scan <max>, %select_n3A_56 masked %reduce_max3A_58 : vector<16xf32>, vector<16xi1> -> vector<16xf32>
    %reduce_max3A_60 = vector.extract %reduce_max3A_59[15] : f32 from vector<16xf32>
    %convert_element_type3A_61 = arith.fptosi %reduce_max3A_60 : f32 to i32
    %scan3A = arith.constant 0 : i32
    %scan3A_62 = arith.constant 0 : i32
    %scan3A_63 = arith.constant 40 : i32
    %scan3A_64 = arith.addi %scan3A_62, %scan3A_63 : i32
    %scan3A_65 = arith.constant 4 : i32
    %scan3A_66 = scf.for %scan3A_152 = %scan3A_62 to %scan3A_64 step %scan3A_65 iter_args(%scan3A_153 = %scan3A) -> (i32)  : i32 {
      %mul3A_154 = arith.constant 16 : i32
      %mul3A_155 = arith.muli %scan3A_152, %mul3A_154 : i32
      %mul3A_156 = arith.constant 16 : i32
      %mul3A_157 = arith.muli %scan3A_152, %mul3A_156 : i32
      %get3A_158 = arith.index_cast %mul3A_157 : i32 to index
      %get3A_159 = tpu.vector_load %arg5[%get3A_158] {strides = array<i32>} : memref<3200xf32, #tpu.memory_space<vmem>>, vector<16xf32>,
      %mul3A_160 = arith.constant 16 : i32
      %mul3A_161 = arith.muli %scan3A_152, %mul3A_160 : i32
      %add3A_162 = arith.constant 640 : i32
      %add3A_163 = arith.addi %add3A_162, %mul3A_161 : i32
      %get3A_164 = arith.index_cast %add3A_163 : i32 to index
      %get3A_165 = tpu.vector_load %arg5[%get3A_164] {strides = array<i32>} : memref<3200xf32, #tpu.memory_space<vmem>>, vector<16xf32>,
      %mul3A_166 = arith.constant 16 : i32
      %mul3A_167 = arith.muli %scan3A_152, %mul3A_166 : i32
      %add3A_168 = arith.constant 1280 : i32
      %add3A_169 = arith.addi %add3A_168, %mul3A_167 : i32
      %get3A_170 = arith.index_cast %add3A_169 : i32 to index
      %get3A_171 = tpu.vector_load %arg5[%get3A_170] {strides = array<i32>} : memref<3200xf32, #tpu.memory_space<vmem>>, vector<16xf32>,
      %mul3A_172 = arith.constant 16 : i32
      %mul3A_173 = arith.muli %scan3A_152, %mul3A_172 : i32
      %add3A_174 = arith.constant 1920 : i32
      %add3A_175 = arith.addi %add3A_174, %mul3A_173 : i32
      %get3A_176 = arith.index_cast %add3A_175 : i32 to index
      %get3A_177 = tpu.vector_load %arg5[%get3A_176] {strides = array<i32>} : memref<3200xf32, #tpu.memory_space<vmem>>, vector<16xf32>,
      %mul3A_178 = arith.constant 16 : i32
      %mul3A_179 = arith.muli %scan3A_152, %mul3A_178 : i32
      %add3A_180 = arith.constant 2560 : i32
      %add3A_181 = arith.addi %add3A_180, %mul3A_179 : i32
      %get3A_182 = arith.index_cast %add3A_181 : i32 to index
      %get3A_183 = tpu.vector_load %arg5[%get3A_182] {strides = array<i32>} : memref<3200xf32, #tpu.memory_space<vmem>>, vector<16xf32>,
      %min3A_184 = arith.minimumf %get3A_159, %get3A_171 : vector<16xf32>
      %mul3A_185 = arith.constant 5.120000e+02 : f32
      %mul3A_186 = vector.broadcast %mul3A_185 : f32 to vector<16xf32>
      %mul3A_187 = arith.mulf %min3A_184, %mul3A_186 : vector<16xf32>
      %max3A = arith.maximumf %get3A_159, %get3A_171 : vector<16xf32>
      %mul3A_188 = arith.constant 5.120000e+02 : f32
      %mul3A_189 = vector.broadcast %mul3A_188 : f32 to vector<16xf32>
      %mul3A_190 = arith.mulf %max3A, %mul3A_189 : vector<16xf32>
      %min3A_191 = arith.minimumf %get3A_165, %get3A_177 : vector<16xf32>
      %mul3A_192 = arith.constant 5.120000e+02 : f32
      %mul3A_193 = vector.broadcast %mul3A_192 : f32 to vector<16xf32>
      %mul3A_194 = arith.mulf %min3A_191, %mul3A_193 : vector<16xf32>
      %max3A_195 = arith.maximumf %get3A_165, %get3A_177 : vector<16xf32>
      %mul3A_196 = arith.constant 5.120000e+02 : f32
      %mul3A_197 = vector.broadcast %mul3A_196 : f32 to vector<16xf32>
      %mul3A_198 = arith.mulf %max3A_195, %mul3A_197 : vector<16xf32>
      %sub3A_199 = arith.subf %mul3A_190, %mul3A_187 : vector<16xf32>
      %sub3A_200 = arith.subf %mul3A_198, %mul3A_194 : vector<16xf32>
      %gt3A = arith.constant 5.120000e+01 : f32
      %gt3A_201 = vector.broadcast %gt3A : f32 to vector<16xf32>
      %gt3A_202 = arith.cmpf ogt, %sub3A_200, %gt3A_201 : vector<16xf32>
      %gt3A_203 = arith.constant 5.120000e+01 : f32
      %gt3A_204 = vector.broadcast %gt3A_203 : f32 to vector<16xf32>
      %gt3A_205 = arith.cmpf ogt, %sub3A_199, %gt3A_204 : vector<16xf32>
      %and3A_206 = arith.andi %gt3A_202, %gt3A_205 : vector<16xi1>
      %mul3A_207 = arith.constant 16 : i32
      %mul3A_208 = arith.muli %scan3A_152, %mul3A_207 : i32
      %swap3A_209 = arith.index_cast %mul3A_208 : i32 to index
      %swap3A_210 = tpu.vector_load %arg6[%swap3A_209] {strides = array<i32>} : memref<3840xf32, #tpu.memory_space<vmem>>, vector<16xf32>,
      tpu.vector_store %arg6[%swap3A_209], %mul3A_187 {strides = array<i32>} : memref<3840xf32, #tpu.memory_space<vmem>>, vector<16xf32>,
      %mul3A_211 = arith.constant 16 : i32
      %mul3A_212 = arith.muli %scan3A_152, %mul3A_211 : i32
      %add3A_213 = arith.constant 640 : i32
      %add3A_214 = arith.addi %add3A_213, %mul3A_212 : i32
      %swap3A_215 = arith.index_cast %add3A_214 : i32 to index
      %swap3A_216 = tpu.vector_load %arg6[%swap3A_215] {strides = array<i32>} : memref<3840xf32, #tpu.memory_space<vmem>>, vector<16xf32>,
      tpu.vector_store %arg6[%swap3A_215], %mul3A_194 {strides = array<i32>} : memref<3840xf32, #tpu.memory_space<vmem>>, vector<16xf32>,
      %mul3A_217 = arith.constant 16 : i32
      %mul3A_218 = arith.muli %scan3A_152, %mul3A_217 : i32
      %add3A_219 = arith.constant 1280 : i32
      %add3A_220 = arith.addi %add3A_219, %mul3A_218 : i32
      %swap3A_221 = arith.index_cast %add3A_220 : i32 to index
      %swap3A_222 = tpu.vector_load %arg6[%swap3A_221] {strides = array<i32>} : memref<3840xf32, #tpu.memory_space<vmem>>, vector<16xf32>,
      tpu.vector_store %arg6[%swap3A_221], %mul3A_190 {strides = array<i32>} : memref<3840xf32, #tpu.memory_space<vmem>>, vector<16xf32>,
      %mul3A_223 = arith.constant 16 : i32
      %mul3A_224 = arith.muli %scan3A_152, %mul3A_223 : i32
      %add3A_225 = arith.constant 1920 : i32
      %add3A_226 = arith.addi %add3A_225, %mul3A_224 : i32
      %swap3A_227 = arith.index_cast %add3A_226 : i32 to index
      %swap3A_228 = tpu.vector_load %arg6[%swap3A_227] {strides = array<i32>} : memref<3840xf32, #tpu.memory_space<vmem>>, vector<16xf32>,
      tpu.vector_store %arg6[%swap3A_227], %mul3A_198 {strides = array<i32>} : memref<3840xf32, #tpu.memory_space<vmem>>, vector<16xf32>,
      %mul3A_229 = arith.mulf %sub3A_199, %sub3A_200 : vector<16xf32>
      %mul3A_230 = arith.constant 16 : i32
      %mul3A_231 = arith.muli %scan3A_152, %mul3A_230 : i32
      %add3A_232 = arith.constant 2560 : i32
      %add3A_233 = arith.addi %add3A_232, %mul3A_231 : i32
      %swap3A_234 = arith.index_cast %add3A_233 : i32 to index
      %swap3A_235 = tpu.vector_load %arg6[%swap3A_234] {strides = array<i32>} : memref<3840xf32, #tpu.memory_space<vmem>>, vector<16xf32>,
      tpu.vector_store %arg6[%swap3A_234], %mul3A_229 {strides = array<i32>} : memref<3840xf32, #tpu.memory_space<vmem>>, vector<16xf32>,
      %jit3A_236 = arith.constant -1.000000e+30 : f32
      %broadcast_in_dim3A_237 = vector.broadcast %jit3A_236 : f32 to vector<16xf32>
      %select_n3A_238 = arith.select %and3A_206, %get3A_183, %broadcast_in_dim3A_237 : vector<16xi1>, vector<16xf32>
      %mul3A_239 = arith.constant 16 : i32
      %mul3A_240 = arith.muli %scan3A_152, %mul3A_239 : i32
      %add3A_241 = arith.constant 3200 : i32
      %add3A_242 = arith.addi %add3A_241, %mul3A_240 : i32
      %swap3A_243 = arith.index_cast %add3A_242 : i32 to index
      %swap3A_244 = tpu.vector_load %arg6[%swap3A_243] {strides = array<i32>} : memref<3840xf32, #tpu.memory_space<vmem>>, vector<16xf32>,
      tpu.vector_store %arg6[%swap3A_243], %select_n3A_238 {strides = array<i32>} : memref<3840xf32, #tpu.memory_space<vmem>>, vector<16xf32>,
      %scan3A_245 = arith.constant 0 : i32
      %scan3A_246 = arith.constant 1 : i32
      %scan3A_247 = arith.addi %scan3A_152, %scan3A_246 : i32
      %mul3A_248 = arith.constant 16 : i32
      %mul3A_249 = arith.muli %scan3A_247, %mul3A_248 : i32
      %mul3A_250 = arith.constant 16 : i32
      %mul3A_251 = arith.muli %scan3A_247, %mul3A_250 : i32
      %get3A_252 = arith.index_cast %mul3A_251 : i32 to index
      %get3A_253 = tpu.vector_load %arg5[%get3A_252] {strides = array<i32>} : memref<3200xf32, #tpu.memory_space<vmem>>, vector<16xf32>,
      %mul3A_254 = arith.constant 16 : i32
      %mul3A_255 = arith.muli %scan3A_247, %mul3A_254 : i32
      %add3A_256 = arith.constant 640 : i32
      %add3A_257 = arith.addi %add3A_256, %mul3A_255 : i32
      %get3A_258 = arith.index_cast %add3A_257 : i32 to index
      %get3A_259 = tpu.vector_load %arg5[%get3A_258] {strides = array<i32>} : memref<3200xf32, #tpu.memory_space<vmem>>, vector<16xf32>,
      %mul3A_260 = arith.constant 16 : i32
      %mul3A_261 = arith.muli %scan3A_247, %mul3A_260 : i32
      %add3A_262 = arith.constant 1280 : i32
      %add3A_263 = arith.addi %add3A_262, %mul3A_261 : i32
      %get3A_264 = arith.index_cast %add3A_263 : i32 to index
      %get3A_265 = tpu.vector_load %arg5[%get3A_264] {strides = array<i32>} : memref<3200xf32, #tpu.memory_space<vmem>>, vector<16xf32>,
      %mul3A_266 = arith.constant 16 : i32
      %mul3A_267 = arith.muli %scan3A_247, %mul3A_266 : i32
      %add3A_268 = arith.constant 1920 : i32
      %add3A_269 = arith.addi %add3A_268, %mul3A_267 : i32
      %get3A_270 = arith.index_cast %add3A_269 : i32 to index
      %get3A_271 = tpu.vector_load %arg5[%get3A_270] {strides = array<i32>} : memref<3200xf32, #tpu.memory_space<vmem>>, vector<16xf32>,
      %mul3A_272 = arith.constant 16 : i32
      %mul3A_273 = arith.muli %scan3A_247, %mul3A_272 : i32
      %add3A_274 = arith.constant 2560 : i32
      %add3A_275 = arith.addi %add3A_274, %mul3A_273 : i32
      %get3A_276 = arith.index_cast %add3A_275 : i32 to index
      %get3A_277 = tpu.vector_load %arg5[%get3A_276] {strides = array<i32>} : memref<3200xf32, #tpu.memory_space<vmem>>, vector<16xf32>,
      %min3A_278 = arith.minimumf %get3A_253, %get3A_265 : vector<16xf32>
      %mul3A_279 = arith.constant 5.120000e+02 : f32
      %mul3A_280 = vector.broadcast %mul3A_279 : f32 to vector<16xf32>
      %mul3A_281 = arith.mulf %min3A_278, %mul3A_280 : vector<16xf32>
      %max3A_282 = arith.maximumf %get3A_253, %get3A_265 : vector<16xf32>
      %mul3A_283 = arith.constant 5.120000e+02 : f32
      %mul3A_284 = vector.broadcast %mul3A_283 : f32 to vector<16xf32>
      %mul3A_285 = arith.mulf %max3A_282, %mul3A_284 : vector<16xf32>
      %min3A_286 = arith.minimumf %get3A_259, %get3A_271 : vector<16xf32>
      %mul3A_287 = arith.constant 5.120000e+02 : f32
      %mul3A_288 = vector.broadcast %mul3A_287 : f32 to vector<16xf32>
      %mul3A_289 = arith.mulf %min3A_286, %mul3A_288 : vector<16xf32>
      %max3A_290 = arith.maximumf %get3A_259, %get3A_271 : vector<16xf32>
      %mul3A_291 = arith.constant 5.120000e+02 : f32
      %mul3A_292 = vector.broadcast %mul3A_291 : f32 to vector<16xf32>
      %mul3A_293 = arith.mulf %max3A_290, %mul3A_292 : vector<16xf32>
      %sub3A_294 = arith.subf %mul3A_285, %mul3A_281 : vector<16xf32>
      %sub3A_295 = arith.subf %mul3A_293, %mul3A_289 : vector<16xf32>
      %gt3A_296 = arith.constant 5.120000e+01 : f32
      %gt3A_297 = vector.broadcast %gt3A_296 : f32 to vector<16xf32>
      %gt3A_298 = arith.cmpf ogt, %sub3A_295, %gt3A_297 : vector<16xf32>
      %gt3A_299 = arith.constant 5.120000e+01 : f32
      %gt3A_300 = vector.broadcast %gt3A_299 : f32 to vector<16xf32>
      %gt3A_301 = arith.cmpf ogt, %sub3A_294, %gt3A_300 : vector<16xf32>
      %and3A_302 = arith.andi %gt3A_298, %gt3A_301 : vector<16xi1>
      %mul3A_303 = arith.constant 16 : i32
      %mul3A_304 = arith.muli %scan3A_247, %mul3A_303 : i32
      %swap3A_305 = arith.index_cast %mul3A_304 : i32 to index
      %swap3A_306 = tpu.vector_load %arg6[%swap3A_305] {strides = array<i32>} : memref<3840xf32, #tpu.memory_space<vmem>>, vector<16xf32>,
      tpu.vector_store %arg6[%swap3A_305], %mul3A_281 {strides = array<i32>} : memref<3840xf32, #tpu.memory_space<vmem>>, vector<16xf32>,
      %mul3A_307 = arith.constant 16 : i32
      %mul3A_308 = arith.muli %scan3A_247, %mul3A_307 : i32
      %add3A_309 = arith.constant 640 : i32
      %add3A_310 = arith.addi %add3A_309, %mul3A_308 : i32
      %swap3A_311 = arith.index_cast %add3A_310 : i32 to index
      %swap3A_312 = tpu.vector_load %arg6[%swap3A_311] {strides = array<i32>} : memref<3840xf32, #tpu.memory_space<vmem>>, vector<16xf32>,
      tpu.vector_store %arg6[%swap3A_311], %mul3A_289 {strides = array<i32>} : memref<3840xf32, #tpu.memory_space<vmem>>, vector<16xf32>,
      %mul3A_313 = arith.constant 16 : i32
      %mul3A_314 = arith.muli %scan3A_247, %mul3A_313 : i32
      %add3A_315 = arith.constant 1280 : i32
      %add3A_316 = arith.addi %add3A_315, %mul3A_314 : i32
      %swap3A_317 = arith.index_cast %add3A_316 : i32 to index
      %swap3A_318 = tpu.vector_load %arg6[%swap3A_317] {strides = array<i32>} : memref<3840xf32, #tpu.memory_space<vmem>>, vector<16xf32>,
      tpu.vector_store %arg6[%swap3A_317], %mul3A_285 {strides = array<i32>} : memref<3840xf32, #tpu.memory_space<vmem>>, vector<16xf32>,
      %mul3A_319 = arith.constant 16 : i32
      %mul3A_320 = arith.muli %scan3A_247, %mul3A_319 : i32
      %add3A_321 = arith.constant 1920 : i32
      %add3A_322 = arith.addi %add3A_321, %mul3A_320 : i32
      %swap3A_323 = arith.index_cast %add3A_322 : i32 to index
      %swap3A_324 = tpu.vector_load %arg6[%swap3A_323] {strides = array<i32>} : memref<3840xf32, #tpu.memory_space<vmem>>, vector<16xf32>,
      tpu.vector_store %arg6[%swap3A_323], %mul3A_293 {strides = array<i32>} : memref<3840xf32, #tpu.memory_space<vmem>>, vector<16xf32>,
      %mul3A_325 = arith.mulf %sub3A_294, %sub3A_295 : vector<16xf32>
      %mul3A_326 = arith.constant 16 : i32
      %mul3A_327 = arith.muli %scan3A_247, %mul3A_326 : i32
      %add3A_328 = arith.constant 2560 : i32
      %add3A_329 = arith.addi %add3A_328, %mul3A_327 : i32
      %swap3A_330 = arith.index_cast %add3A_329 : i32 to index
      %swap3A_331 = tpu.vector_load %arg6[%swap3A_330] {strides = array<i32>} : memref<3840xf32, #tpu.memory_space<vmem>>, vector<16xf32>,
      tpu.vector_store %arg6[%swap3A_330], %mul3A_325 {strides = array<i32>} : memref<3840xf32, #tpu.memory_space<vmem>>, vector<16xf32>,
      %jit3A_332 = arith.constant -1.000000e+30 : f32
      %broadcast_in_dim3A_333 = vector.broadcast %jit3A_332 : f32 to vector<16xf32>
      %select_n3A_334 = arith.select %and3A_302, %get3A_277, %broadcast_in_dim3A_333 : vector<16xi1>, vector<16xf32>
      %mul3A_335 = arith.constant 16 : i32
      %mul3A_336 = arith.muli %scan3A_247, %mul3A_335 : i32
      %add3A_337 = arith.constant 3200 : i32
      %add3A_338 = arith.addi %add3A_337, %mul3A_336 : i32
      %swap3A_339 = arith.index_cast %add3A_338 : i32 to index
      %swap3A_340 = tpu.vector_load %arg6[%swap3A_339] {strides = array<i32>} : memref<3840xf32, #tpu.memory_space<vmem>>, vector<16xf32>,
      tpu.vector_store %arg6[%swap3A_339], %select_n3A_334 {strides = array<i32>} : memref<3840xf32, #tpu.memory_space<vmem>>, vector<16xf32>,
      %scan3A_341 = arith.constant 0 : i32
      %scan3A_342 = arith.constant 2 : i32
      %scan3A_343 = arith.addi %scan3A_152, %scan3A_342 : i32
      %mul3A_344 = arith.constant 16 : i32
      %mul3A_345 = arith.muli %scan3A_343, %mul3A_344 : i32
      %mul3A_346 = arith.constant 16 : i32
      %mul3A_347 = arith.muli %scan3A_343, %mul3A_346 : i32
      %get3A_348 = arith.index_cast %mul3A_347 : i32 to index
      %get3A_349 = tpu.vector_load %arg5[%get3A_348] {strides = array<i32>} : memref<3200xf32, #tpu.memory_space<vmem>>, vector<16xf32>,
      %mul3A_350 = arith.constant 16 : i32
      %mul3A_351 = arith.muli %scan3A_343, %mul3A_350 : i32
      %add3A_352 = arith.constant 640 : i32
      %add3A_353 = arith.addi %add3A_352, %mul3A_351 : i32
      %get3A_354 = arith.index_cast %add3A_353 : i32 to index
      %get3A_355 = tpu.vector_load %arg5[%get3A_354] {strides = array<i32>} : memref<3200xf32, #tpu.memory_space<vmem>>, vector<16xf32>,
      %mul3A_356 = arith.constant 16 : i32
      %mul3A_357 = arith.muli %scan3A_343, %mul3A_356 : i32
      %add3A_358 = arith.constant 1280 : i32
      %add3A_359 = arith.addi %add3A_358, %mul3A_357 : i32
      %get3A_360 = arith.index_cast %add3A_359 : i32 to index
      %get3A_361 = tpu.vector_load %arg5[%get3A_360] {strides = array<i32>} : memref<3200xf32, #tpu.memory_space<vmem>>, vector<16xf32>,
      %mul3A_362 = arith.constant 16 : i32
      %mul3A_363 = arith.muli %scan3A_343, %mul3A_362 : i32
      %add3A_364 = arith.constant 1920 : i32
      %add3A_365 = arith.addi %add3A_364, %mul3A_363 : i32
      %get3A_366 = arith.index_cast %add3A_365 : i32 to index
      %get3A_367 = tpu.vector_load %arg5[%get3A_366] {strides = array<i32>} : memref<3200xf32, #tpu.memory_space<vmem>>, vector<16xf32>,
      %mul3A_368 = arith.constant 16 : i32
      %mul3A_369 = arith.muli %scan3A_343, %mul3A_368 : i32
      %add3A_370 = arith.constant 2560 : i32
      %add3A_371 = arith.addi %add3A_370, %mul3A_369 : i32
      %get3A_372 = arith.index_cast %add3A_371 : i32 to index
      %get3A_373 = tpu.vector_load %arg5[%get3A_372] {strides = array<i32>} : memref<3200xf32, #tpu.memory_space<vmem>>, vector<16xf32>,
      %min3A_374 = arith.minimumf %get3A_349, %get3A_361 : vector<16xf32>
      %mul3A_375 = arith.constant 5.120000e+02 : f32
      %mul3A_376 = vector.broadcast %mul3A_375 : f32 to vector<16xf32>
      %mul3A_377 = arith.mulf %min3A_374, %mul3A_376 : vector<16xf32>
      %max3A_378 = arith.maximumf %get3A_349, %get3A_361 : vector<16xf32>
      %mul3A_379 = arith.constant 5.120000e+02 : f32
      %mul3A_380 = vector.broadcast %mul3A_379 : f32 to vector<16xf32>
      %mul3A_381 = arith.mulf %max3A_378, %mul3A_380 : vector<16xf32>
      %min3A_382 = arith.minimumf %get3A_355, %get3A_367 : vector<16xf32>
      %mul3A_383 = arith.constant 5.120000e+02 : f32
      %mul3A_384 = vector.broadcast %mul3A_383 : f32 to vector<16xf32>
      %mul3A_385 = arith.mulf %min3A_382, %mul3A_384 : vector<16xf32>
      %max3A_386 = arith.maximumf %get3A_355, %get3A_367 : vector<16xf32>
      %mul3A_387 = arith.constant 5.120000e+02 : f32
      %mul3A_388 = vector.broadcast %mul3A_387 : f32 to vector<16xf32>
      %mul3A_389 = arith.mulf %max3A_386, %mul3A_388 : vector<16xf32>
      %sub3A_390 = arith.subf %mul3A_381, %mul3A_377 : vector<16xf32>
      %sub3A_391 = arith.subf %mul3A_389, %mul3A_385 : vector<16xf32>
      %gt3A_392 = arith.constant 5.120000e+01 : f32
      %gt3A_393 = vector.broadcast %gt3A_392 : f32 to vector<16xf32>
      %gt3A_394 = arith.cmpf ogt, %sub3A_391, %gt3A_393 : vector<16xf32>
      %gt3A_395 = arith.constant 5.120000e+01 : f32
      %gt3A_396 = vector.broadcast %gt3A_395 : f32 to vector<16xf32>
      %gt3A_397 = arith.cmpf ogt, %sub3A_390, %gt3A_396 : vector<16xf32>
      %and3A_398 = arith.andi %gt3A_394, %gt3A_397 : vector<16xi1>
      %mul3A_399 = arith.constant 16 : i32
      %mul3A_400 = arith.muli %scan3A_343, %mul3A_399 : i32
      %swap3A_401 = arith.index_cast %mul3A_400 : i32 to index
      %swap3A_402 = tpu.vector_load %arg6[%swap3A_401] {strides = array<i32>} : memref<3840xf32, #tpu.memory_space<vmem>>, vector<16xf32>,
      tpu.vector_store %arg6[%swap3A_401], %mul3A_377 {strides = array<i32>} : memref<3840xf32, #tpu.memory_space<vmem>>, vector<16xf32>,
      %mul3A_403 = arith.constant 16 : i32
      %mul3A_404 = arith.muli %scan3A_343, %mul3A_403 : i32
      %add3A_405 = arith.constant 640 : i32
      %add3A_406 = arith.addi %add3A_405, %mul3A_404 : i32
      %swap3A_407 = arith.index_cast %add3A_406 : i32 to index
      %swap3A_408 = tpu.vector_load %arg6[%swap3A_407] {strides = array<i32>} : memref<3840xf32, #tpu.memory_space<vmem>>, vector<16xf32>,
      tpu.vector_store %arg6[%swap3A_407], %mul3A_385 {strides = array<i32>} : memref<3840xf32, #tpu.memory_space<vmem>>, vector<16xf32>,
      %mul3A_409 = arith.constant 16 : i32
      %mul3A_410 = arith.muli %scan3A_343, %mul3A_409 : i32
      %add3A_411 = arith.constant 1280 : i32
      %add3A_412 = arith.addi %add3A_411, %mul3A_410 : i32
      %swap3A_413 = arith.index_cast %add3A_412 : i32 to index
      %swap3A_414 = tpu.vector_load %arg6[%swap3A_413] {strides = array<i32>} : memref<3840xf32, #tpu.memory_space<vmem>>, vector<16xf32>,
      tpu.vector_store %arg6[%swap3A_413], %mul3A_381 {strides = array<i32>} : memref<3840xf32, #tpu.memory_space<vmem>>, vector<16xf32>,
      %mul3A_415 = arith.constant 16 : i32
      %mul3A_416 = arith.muli %scan3A_343, %mul3A_415 : i32
      %add3A_417 = arith.constant 1920 : i32
      %add3A_418 = arith.addi %add3A_417, %mul3A_416 : i32
      %swap3A_419 = arith.index_cast %add3A_418 : i32 to index
      %swap3A_420 = tpu.vector_load %arg6[%swap3A_419] {strides = array<i32>} : memref<3840xf32, #tpu.memory_space<vmem>>, vector<16xf32>,
      tpu.vector_store %arg6[%swap3A_419], %mul3A_389 {strides = array<i32>} : memref<3840xf32, #tpu.memory_space<vmem>>, vector<16xf32>,
      %mul3A_421 = arith.mulf %sub3A_390, %sub3A_391 : vector<16xf32>
      %mul3A_422 = arith.constant 16 : i32
      %mul3A_423 = arith.muli %scan3A_343, %mul3A_422 : i32
      %add3A_424 = arith.constant 2560 : i32
      %add3A_425 = arith.addi %add3A_424, %mul3A_423 : i32
      %swap3A_426 = arith.index_cast %add3A_425 : i32 to index
      %swap3A_427 = tpu.vector_load %arg6[%swap3A_426] {strides = array<i32>} : memref<3840xf32, #tpu.memory_space<vmem>>, vector<16xf32>,
      tpu.vector_store %arg6[%swap3A_426], %mul3A_421 {strides = array<i32>} : memref<3840xf32, #tpu.memory_space<vmem>>, vector<16xf32>,
      %jit3A_428 = arith.constant -1.000000e+30 : f32
      %broadcast_in_dim3A_429 = vector.broadcast %jit3A_428 : f32 to vector<16xf32>
      %select_n3A_430 = arith.select %and3A_398, %get3A_373, %broadcast_in_dim3A_429 : vector<16xi1>, vector<16xf32>
      %mul3A_431 = arith.constant 16 : i32
      %mul3A_432 = arith.muli %scan3A_343, %mul3A_431 : i32
      %add3A_433 = arith.constant 3200 : i32
      %add3A_434 = arith.addi %add3A_433, %mul3A_432 : i32
      %swap3A_435 = arith.index_cast %add3A_434 : i32 to index
      %swap3A_436 = tpu.vector_load %arg6[%swap3A_435] {strides = array<i32>} : memref<3840xf32, #tpu.memory_space<vmem>>, vector<16xf32>,
      tpu.vector_store %arg6[%swap3A_435], %select_n3A_430 {strides = array<i32>} : memref<3840xf32, #tpu.memory_space<vmem>>, vector<16xf32>,
      %scan3A_437 = arith.constant 0 : i32
      %scan3A_438 = arith.constant 3 : i32
      %scan3A_439 = arith.addi %scan3A_152, %scan3A_438 : i32
      %mul3A_440 = arith.constant 16 : i32
      %mul3A_441 = arith.muli %scan3A_439, %mul3A_440 : i32
      %mul3A_442 = arith.constant 16 : i32
      %mul3A_443 = arith.muli %scan3A_439, %mul3A_442 : i32
      %get3A_444 = arith.index_cast %mul3A_443 : i32 to index
      %get3A_445 = tpu.vector_load %arg5[%get3A_444] {strides = array<i32>} : memref<3200xf32, #tpu.memory_space<vmem>>, vector<16xf32>,
      %mul3A_446 = arith.constant 16 : i32
      %mul3A_447 = arith.muli %scan3A_439, %mul3A_446 : i32
      %add3A_448 = arith.constant 640 : i32
      %add3A_449 = arith.addi %add3A_448, %mul3A_447 : i32
      %get3A_450 = arith.index_cast %add3A_449 : i32 to index
      %get3A_451 = tpu.vector_load %arg5[%get3A_450] {strides = array<i32>} : memref<3200xf32, #tpu.memory_space<vmem>>, vector<16xf32>,
      %mul3A_452 = arith.constant 16 : i32
      %mul3A_453 = arith.muli %scan3A_439, %mul3A_452 : i32
      %add3A_454 = arith.constant 1280 : i32
      %add3A_455 = arith.addi %add3A_454, %mul3A_453 : i32
      %get3A_456 = arith.index_cast %add3A_455 : i32 to index
      %get3A_457 = tpu.vector_load %arg5[%get3A_456] {strides = array<i32>} : memref<3200xf32, #tpu.memory_space<vmem>>, vector<16xf32>,
      %mul3A_458 = arith.constant 16 : i32
      %mul3A_459 = arith.muli %scan3A_439, %mul3A_458 : i32
      %add3A_460 = arith.constant 1920 : i32
      %add3A_461 = arith.addi %add3A_460, %mul3A_459 : i32
      %get3A_462 = arith.index_cast %add3A_461 : i32 to index
      %get3A_463 = tpu.vector_load %arg5[%get3A_462] {strides = array<i32>} : memref<3200xf32, #tpu.memory_space<vmem>>, vector<16xf32>,
      %mul3A_464 = arith.constant 16 : i32
      %mul3A_465 = arith.muli %scan3A_439, %mul3A_464 : i32
      %add3A_466 = arith.constant 2560 : i32
      %add3A_467 = arith.addi %add3A_466, %mul3A_465 : i32
      %get3A_468 = arith.index_cast %add3A_467 : i32 to index
      %get3A_469 = tpu.vector_load %arg5[%get3A_468] {strides = array<i32>} : memref<3200xf32, #tpu.memory_space<vmem>>, vector<16xf32>,
      %min3A_470 = arith.minimumf %get3A_445, %get3A_457 : vector<16xf32>
      %mul3A_471 = arith.constant 5.120000e+02 : f32
      %mul3A_472 = vector.broadcast %mul3A_471 : f32 to vector<16xf32>
      %mul3A_473 = arith.mulf %min3A_470, %mul3A_472 : vector<16xf32>
      %max3A_474 = arith.maximumf %get3A_445, %get3A_457 : vector<16xf32>
      %mul3A_475 = arith.constant 5.120000e+02 : f32
      %mul3A_476 = vector.broadcast %mul3A_475 : f32 to vector<16xf32>
      %mul3A_477 = arith.mulf %max3A_474, %mul3A_476 : vector<16xf32>
      %min3A_478 = arith.minimumf %get3A_451, %get3A_463 : vector<16xf32>
      %mul3A_479 = arith.constant 5.120000e+02 : f32
      %mul3A_480 = vector.broadcast %mul3A_479 : f32 to vector<16xf32>
      %mul3A_481 = arith.mulf %min3A_478, %mul3A_480 : vector<16xf32>
      %max3A_482 = arith.maximumf %get3A_451, %get3A_463 : vector<16xf32>
      %mul3A_483 = arith.constant 5.120000e+02 : f32
      %mul3A_484 = vector.broadcast %mul3A_483 : f32 to vector<16xf32>
      %mul3A_485 = arith.mulf %max3A_482, %mul3A_484 : vector<16xf32>
      %sub3A_486 = arith.subf %mul3A_477, %mul3A_473 : vector<16xf32>
      %sub3A_487 = arith.subf %mul3A_485, %mul3A_481 : vector<16xf32>
      %gt3A_488 = arith.constant 5.120000e+01 : f32
      %gt3A_489 = vector.broadcast %gt3A_488 : f32 to vector<16xf32>
      %gt3A_490 = arith.cmpf ogt, %sub3A_487, %gt3A_489 : vector<16xf32>
      %gt3A_491 = arith.constant 5.120000e+01 : f32
      %gt3A_492 = vector.broadcast %gt3A_491 : f32 to vector<16xf32>
      %gt3A_493 = arith.cmpf ogt, %sub3A_486, %gt3A_492 : vector<16xf32>
      %and3A_494 = arith.andi %gt3A_490, %gt3A_493 : vector<16xi1>
      %mul3A_495 = arith.constant 16 : i32
      %mul3A_496 = arith.muli %scan3A_439, %mul3A_495 : i32
      %swap3A_497 = arith.index_cast %mul3A_496 : i32 to index
      %swap3A_498 = tpu.vector_load %arg6[%swap3A_497] {strides = array<i32>} : memref<3840xf32, #tpu.memory_space<vmem>>, vector<16xf32>,
      tpu.vector_store %arg6[%swap3A_497], %mul3A_473 {strides = array<i32>} : memref<3840xf32, #tpu.memory_space<vmem>>, vector<16xf32>,
      %mul3A_499 = arith.constant 16 : i32
      %mul3A_500 = arith.muli %scan3A_439, %mul3A_499 : i32
      %add3A_501 = arith.constant 640 : i32
      %add3A_502 = arith.addi %add3A_501, %mul3A_500 : i32
      %swap3A_503 = arith.index_cast %add3A_502 : i32 to index
      %swap3A_504 = tpu.vector_load %arg6[%swap3A_503] {strides = array<i32>} : memref<3840xf32, #tpu.memory_space<vmem>>, vector<16xf32>,
      tpu.vector_store %arg6[%swap3A_503], %mul3A_481 {strides = array<i32>} : memref<3840xf32, #tpu.memory_space<vmem>>, vector<16xf32>,
      %mul3A_505 = arith.constant 16 : i32
      %mul3A_506 = arith.muli %scan3A_439, %mul3A_505 : i32
      %add3A_507 = arith.constant 1280 : i32
      %add3A_508 = arith.addi %add3A_507, %mul3A_506 : i32
      %swap3A_509 = arith.index_cast %add3A_508 : i32 to index
      %swap3A_510 = tpu.vector_load %arg6[%swap3A_509] {strides = array<i32>} : memref<3840xf32, #tpu.memory_space<vmem>>, vector<16xf32>,
      tpu.vector_store %arg6[%swap3A_509], %mul3A_477 {strides = array<i32>} : memref<3840xf32, #tpu.memory_space<vmem>>, vector<16xf32>,
      %mul3A_511 = arith.constant 16 : i32
      %mul3A_512 = arith.muli %scan3A_439, %mul3A_511 : i32
      %add3A_513 = arith.constant 1920 : i32
      %add3A_514 = arith.addi %add3A_513, %mul3A_512 : i32
      %swap3A_515 = arith.index_cast %add3A_514 : i32 to index
      %swap3A_516 = tpu.vector_load %arg6[%swap3A_515] {strides = array<i32>} : memref<3840xf32, #tpu.memory_space<vmem>>, vector<16xf32>,
      tpu.vector_store %arg6[%swap3A_515], %mul3A_485 {strides = array<i32>} : memref<3840xf32, #tpu.memory_space<vmem>>, vector<16xf32>,
      %mul3A_517 = arith.mulf %sub3A_486, %sub3A_487 : vector<16xf32>
      %mul3A_518 = arith.constant 16 : i32
      %mul3A_519 = arith.muli %scan3A_439, %mul3A_518 : i32
      %add3A_520 = arith.constant 2560 : i32
      %add3A_521 = arith.addi %add3A_520, %mul3A_519 : i32
      %swap3A_522 = arith.index_cast %add3A_521 : i32 to index
      %swap3A_523 = tpu.vector_load %arg6[%swap3A_522] {strides = array<i32>} : memref<3840xf32, #tpu.memory_space<vmem>>, vector<16xf32>,
      tpu.vector_store %arg6[%swap3A_522], %mul3A_517 {strides = array<i32>} : memref<3840xf32, #tpu.memory_space<vmem>>, vector<16xf32>,
      %jit3A_524 = arith.constant -1.000000e+30 : f32
      %broadcast_in_dim3A_525 = vector.broadcast %jit3A_524 : f32 to vector<16xf32>
      %select_n3A_526 = arith.select %and3A_494, %get3A_469, %broadcast_in_dim3A_525 : vector<16xi1>, vector<16xf32>
      %mul3A_527 = arith.constant 16 : i32
      %mul3A_528 = arith.muli %scan3A_439, %mul3A_527 : i32
      %add3A_529 = arith.constant 3200 : i32
      %add3A_530 = arith.addi %add3A_529, %mul3A_528 : i32
      %swap3A_531 = arith.index_cast %add3A_530 : i32 to index
      %swap3A_532 = tpu.vector_load %arg6[%swap3A_531] {strides = array<i32>} : memref<3840xf32, #tpu.memory_space<vmem>>, vector<16xf32>,
      tpu.vector_store %arg6[%swap3A_531], %select_n3A_526 {strides = array<i32>} : memref<3840xf32, #tpu.memory_space<vmem>>, vector<16xf32>,
      %scan3A_533 = arith.constant 0 : i32
      scf.yield %scan3A_533 : i32
    }
    %scan3A_67 = arith.constant 40 : i32
    %broadcast_in_dim3A_68 = arith.constant 0.000000e+00 : f32
    %broadcast_in_dim3A_69 = vector.broadcast %broadcast_in_dim3A_68 : f32 to vector<16xf32>
    %scan3A_70 = arith.constant 0 : i32
    %scan3A_71 = arith.constant 0 : i32
    %scan3A_72 = arith.constant 48 : i32
    %scan3A_73 = arith.addi %scan3A_71, %scan3A_72 : i32
    %scan3A_74 = arith.constant 4 : i32
    %scan3A_75 = scf.for %scan3A_152 = %scan3A_71 to %scan3A_73 step %scan3A_74 iter_args(%scan3A_153 = %scan3A_70) -> (i32)  : i32 {
      %mul3A_154 = arith.constant 16 : i32
      %mul3A_155 = arith.muli %scan3A_152, %mul3A_154 : i32
      %swap3A_156 = arith.index_cast %mul3A_155 : i32 to index
      %swap3A_157 = tpu.vector_load %arg9[%swap3A_156] {strides = array<i32>} : memref<1024xf32, #tpu.memory_space<vmem>>, vector<16xf32>,
      tpu.vector_store %arg9[%swap3A_156], %broadcast_in_dim3A_69 {strides = array<i32>} : memref<1024xf32, #tpu.memory_space<vmem>>, vector<16xf32>,
      %scan3A_158 = arith.constant 0 : i32
      %scan3A_159 = arith.constant 1 : i32
      %scan3A_160 = arith.addi %scan3A_152, %scan3A_159 : i32
      %mul3A_161 = arith.constant 16 : i32
      %mul3A_162 = arith.muli %scan3A_160, %mul3A_161 : i32
      %swap3A_163 = arith.index_cast %mul3A_162 : i32 to index
      %swap3A_164 = tpu.vector_load %arg9[%swap3A_163] {strides = array<i32>} : memref<1024xf32, #tpu.memory_space<vmem>>, vector<16xf32>,
      tpu.vector_store %arg9[%swap3A_163], %broadcast_in_dim3A_69 {strides = array<i32>} : memref<1024xf32, #tpu.memory_space<vmem>>, vector<16xf32>,
      %scan3A_165 = arith.constant 0 : i32
      %scan3A_166 = arith.constant 2 : i32
      %scan3A_167 = arith.addi %scan3A_152, %scan3A_166 : i32
      %mul3A_168 = arith.constant 16 : i32
      %mul3A_169 = arith.muli %scan3A_167, %mul3A_168 : i32
      %swap3A_170 = arith.index_cast %mul3A_169 : i32 to index
      %swap3A_171 = tpu.vector_load %arg9[%swap3A_170] {strides = array<i32>} : memref<1024xf32, #tpu.memory_space<vmem>>, vector<16xf32>,
      tpu.vector_store %arg9[%swap3A_170], %broadcast_in_dim3A_69 {strides = array<i32>} : memref<1024xf32, #tpu.memory_space<vmem>>, vector<16xf32>,
      %scan3A_172 = arith.constant 0 : i32
      %scan3A_173 = arith.constant 3 : i32
      %scan3A_174 = arith.addi %scan3A_152, %scan3A_173 : i32
      %mul3A_175 = arith.constant 16 : i32
      %mul3A_176 = arith.muli %scan3A_174, %mul3A_175 : i32
      %swap3A_177 = arith.index_cast %mul3A_176 : i32 to index
      %swap3A_178 = tpu.vector_load %arg9[%swap3A_177] {strides = array<i32>} : memref<1024xf32, #tpu.memory_space<vmem>>, vector<16xf32>,
      tpu.vector_store %arg9[%swap3A_177], %broadcast_in_dim3A_69 {strides = array<i32>} : memref<1024xf32, #tpu.memory_space<vmem>>, vector<16xf32>,
      %scan3A_179 = arith.constant 0 : i32
      scf.yield %scan3A_179 : i32
    }
    %scan3A_76 = arith.constant 48 : i32
    %scan3A_77 = arith.addi %scan3A_71, %scan3A_76 : i32
    %mul3A_78 = arith.constant 16 : i32
    %mul3A_79 = arith.muli %scan3A_77, %mul3A_78 : i32
    %swap3A = arith.index_cast %mul3A_79 : i32 to index
    %swap3A_80 = tpu.vector_load %arg9[%swap3A] {strides = array<i32>} : memref<1024xf32, #tpu.memory_space<vmem>>, vector<16xf32>,
    tpu.vector_store %arg9[%swap3A], %broadcast_in_dim3A_69 {strides = array<i32>} : memref<1024xf32, #tpu.memory_space<vmem>>, vector<16xf32>,
    %scan3A_81 = arith.constant 0 : i32
    %scan3A_82 = arith.constant 49 : i32
    %scan3A_83 = arith.addi %scan3A_71, %scan3A_82 : i32
    %mul3A_84 = arith.constant 16 : i32
    %mul3A_85 = arith.muli %scan3A_83, %mul3A_84 : i32
    %swap3A_86 = arith.index_cast %mul3A_85 : i32 to index
    %swap3A_87 = tpu.vector_load %arg9[%swap3A_86] {strides = array<i32>} : memref<1024xf32, #tpu.memory_space<vmem>>, vector<16xf32>,
    tpu.vector_store %arg9[%swap3A_86], %broadcast_in_dim3A_69 {strides = array<i32>} : memref<1024xf32, #tpu.memory_space<vmem>>, vector<16xf32>,
    %scan3A_88 = arith.constant 0 : i32
    %scan3A_89 = arith.constant 50 : i32
    %eq3A_90 = arith.constant 2 : i32
    %eq3A_91 = vector.broadcast %eq3A_90 : i32 to vector<16xi32>
    %eq3A_92 = arith.cmpi eq, %iota3A, %eq3A_91 : vector<16xi32>
    %jit3A_93 = arith.constant 0 : i32
    %jit3A_94 = arith.constant 0 : i32
    %broadcast_in_dim3A_95 = vector.broadcast %jit3A_93 : i32 to vector<16xi32>
    %broadcast_in_dim3A_96 = vector.broadcast %jit3A_94 : i32 to vector<16xi32>
    %select_n3A_97 = arith.select %eq3A_92, %broadcast_in_dim3A_95, %broadcast_in_dim3A_96 : vector<16xi1>, vector<16xi32>
    %eq3A_98 = arith.constant 3 : i32
    %eq3A_99 = vector.broadcast %eq3A_98 : i32 to vector<16xi32>
    %eq3A_100 = arith.cmpi eq, %iota3A, %eq3A_99 : vector<16xi32>
    %jit3A_101 = arith.constant 640 : i32
    %jit3A_102 = arith.constant 0 : i32
    %broadcast_in_dim3A_103 = vector.broadcast %jit3A_101 : i32 to vector<16xi32>
    %broadcast_in_dim3A_104 = vector.broadcast %jit3A_102 : i32 to vector<16xi32>
    %select_n3A_105 = arith.select %eq3A_100, %broadcast_in_dim3A_103, %broadcast_in_dim3A_104 : vector<16xi1>, vector<16xi32>
    %add3A_106 = arith.addi %select_n3A_97, %select_n3A_105 : vector<16xi32>
    %eq3A_107 = arith.constant 4 : i32
    %eq3A_108 = vector.broadcast %eq3A_107 : i32 to vector<16xi32>
    %eq3A_109 = arith.cmpi eq, %iota3A, %eq3A_108 : vector<16xi32>
    %jit3A_110 = arith.constant 1280 : i32
    %jit3A_111 = arith.constant 0 : i32
    %broadcast_in_dim3A_112 = vector.broadcast %jit3A_110 : i32 to vector<16xi32>
    %broadcast_in_dim3A_113 = vector.broadcast %jit3A_111 : i32 to vector<16xi32>
    %select_n3A_114 = arith.select %eq3A_109, %broadcast_in_dim3A_112, %broadcast_in_dim3A_113 : vector<16xi1>, vector<16xi32>
    %add3A_115 = arith.addi %add3A_106, %select_n3A_114 : vector<16xi32>
    %eq3A_116 = arith.constant 5 : i32
    %eq3A_117 = vector.broadcast %eq3A_116 : i32 to vector<16xi32>
    %eq3A_118 = arith.cmpi eq, %iota3A, %eq3A_117 : vector<16xi32>
    %jit3A_119 = arith.constant 1920 : i32
    %jit3A_120 = arith.constant 0 : i32
    %broadcast_in_dim3A_121 = vector.broadcast %jit3A_119 : i32 to vector<16xi32>
    %broadcast_in_dim3A_122 = vector.broadcast %jit3A_120 : i32 to vector<16xi32>
    %select_n3A_123 = arith.select %eq3A_118, %broadcast_in_dim3A_121, %broadcast_in_dim3A_122 : vector<16xi1>, vector<16xi32>
    %add3A_124 = arith.addi %add3A_115, %select_n3A_123 : vector<16xi32>
    %eq3A_125 = arith.constant 6 : i32
    %eq3A_126 = vector.broadcast %eq3A_125 : i32 to vector<16xi32>
    %eq3A_127 = arith.cmpi eq, %iota3A, %eq3A_126 : vector<16xi32>
    %jit3A_128 = arith.constant 2560 : i32
    %jit3A_129 = arith.constant 0 : i32
    %broadcast_in_dim3A_130 = vector.broadcast %jit3A_128 : i32 to vector<16xi32>
    %broadcast_in_dim3A_131 = vector.broadcast %jit3A_129 : i32 to vector<16xi32>
    %select_n3A_132 = arith.select %eq3A_127, %broadcast_in_dim3A_130, %broadcast_in_dim3A_131 : vector<16xi1>, vector<16xi32>
    %add3A_133 = arith.addi %add3A_124, %select_n3A_132 : vector<16xi32>
    %while3A = arith.constant true
    %while3A_134 = arith.constant 0 : i32
    %while3A_135 = arith.constant 0.000000e+00 : f32
    %while3A_136 = arith.constant 0.000000e+00 : f32
    %while3A_137 = arith.constant 0.000000e+00 : f32
    %while3A_138 = arith.constant 0.000000e+00 : f32
    %while3A_139 = arith.constant 0.000000e+00 : f32
    %while3A_140 = arith.constant 0.000000e+00 : f32
    %while3A_141 = arith.constant 0 : i32
    %while3A_142:9 = scf.while (%while3A_152 = %while3A, %while3A_153 = %while3A_134, %while3A_154 = %while3A_135, %while3A_155 = %while3A_136, %while3A_156 = %while3A_137, %while3A_157 = %while3A_138, %while3A_158 = %while3A_139, %while3A_159 = %while3A_140, %while3A_160 = %while3A_141) : (i1, i32, f32, f32, f32, f32, f32, f32, i32) -> (i1, i32, f32, f32, f32, f32, f32, f32, i32) {
      scf.condition(%while3A_152) %while3A_152, %while3A_153, %while3A_154, %while3A_155, %while3A_156, %while3A_157, %while3A_158, %while3A_159, %while3A_160 : i1, i32, f32, f32, f32, f32, f32, f32, i32
    } do {
    ^bb0(%while3A_152: i1, %while3A_153: i32, %while3A_154: f32, %while3A_155: f32, %while3A_156: f32, %while3A_157: f32, %while3A_158: f32, %while3A_159: f32, %while3A_160: i32):
      %gt3A = arith.constant 5.000000e-01 : f32
      %gt3A_161 = arith.cmpf ogt, %while3A_159, %gt3A : f32
      %broadcast_in_dim3A_162 = arith.constant -1.000000e+30 : f32
      %broadcast_in_dim3A_163 = vector.broadcast %broadcast_in_dim3A_162 : f32 to vector<16xf32>
      %broadcast_in_dim3A_164 = arith.constant 0.000000e+00 : f32
      %broadcast_in_dim3A_165 = vector.broadcast %broadcast_in_dim3A_164 : f32 to vector<16xf32>
      %scan3A_166 = arith.constant 0 : i32
      %scan3A_167 = arith.constant 40 : i32
      %scan3A_168 = arith.addi %scan3A_166, %scan3A_167 : i32
      %scan3A_169 = arith.constant 8 : i32
      %scan3A_170:2 = scf.for %scan3A_338 = %scan3A_166 to %scan3A_168 step %scan3A_169 iter_args(%scan3A_339 = %broadcast_in_dim3A_163, %scan3A_340 = %broadcast_in_dim3A_165) -> (vector<16xf32>, vector<16xf32>)  : i32 {
        %mul3A_341 = arith.constant 16 : i32
        %mul3A_342 = arith.muli %scan3A_338, %mul3A_341 : i32
        %get3A_343 = arith.index_cast %mul3A_342 : i32 to index
        %get3A_344 = tpu.vector_load %arg6[%get3A_343] {strides = array<i32>} : memref<3840xf32, #tpu.memory_space<vmem>>, vector<16xf32>,
        %mul3A_345 = arith.constant 16 : i32
        %mul3A_346 = arith.muli %scan3A_338, %mul3A_345 : i32
        %add3A_347 = arith.constant 640 : i32
        %add3A_348 = arith.addi %add3A_347, %mul3A_346 : i32
        %get3A_349 = arith.index_cast %add3A_348 : i32 to index
        %get3A_350 = tpu.vector_load %arg6[%get3A_349] {strides = array<i32>} : memref<3840xf32, #tpu.memory_space<vmem>>, vector<16xf32>,
        %mul3A_351 = arith.constant 16 : i32
        %mul3A_352 = arith.muli %scan3A_338, %mul3A_351 : i32
        %add3A_353 = arith.constant 1280 : i32
        %add3A_354 = arith.addi %add3A_353, %mul3A_352 : i32
        %get3A_355 = arith.index_cast %add3A_354 : i32 to index
        %get3A_356 = tpu.vector_load %arg6[%get3A_355] {strides = array<i32>} : memref<3840xf32, #tpu.memory_space<vmem>>, vector<16xf32>,
        %mul3A_357 = arith.constant 16 : i32
        %mul3A_358 = arith.muli %scan3A_338, %mul3A_357 : i32
        %add3A_359 = arith.constant 1920 : i32
        %add3A_360 = arith.addi %add3A_359, %mul3A_358 : i32
        %get3A_361 = arith.index_cast %add3A_360 : i32 to index
        %get3A_362 = tpu.vector_load %arg6[%get3A_361] {strides = array<i32>} : memref<3840xf32, #tpu.memory_space<vmem>>, vector<16xf32>,
        %mul3A_363 = arith.constant 16 : i32
        %mul3A_364 = arith.muli %scan3A_338, %mul3A_363 : i32
        %add3A_365 = arith.constant 2560 : i32
        %add3A_366 = arith.addi %add3A_365, %mul3A_364 : i32
        %get3A_367 = arith.index_cast %add3A_366 : i32 to index
        %get3A_368 = tpu.vector_load %arg6[%get3A_367] {strides = array<i32>} : memref<3840xf32, #tpu.memory_space<vmem>>, vector<16xf32>,
        %mul3A_369 = arith.constant 16 : i32
        %mul3A_370 = arith.muli %scan3A_338, %mul3A_369 : i32
        %add3A_371 = arith.constant 3200 : i32
        %add3A_372 = arith.addi %add3A_371, %mul3A_370 : i32
        %get3A_373 = arith.index_cast %add3A_372 : i32 to index
        %get3A_374 = tpu.vector_load %arg6[%get3A_373] {strides = array<i32>} : memref<3840xf32, #tpu.memory_space<vmem>>, vector<16xf32>,
        %max3A = vector.broadcast %while3A_154 : f32 to vector<16xf32>
        %max3A_375 = arith.maximumf %get3A_344, %max3A : vector<16xf32>
        %max3A_376 = vector.broadcast %while3A_155 : f32 to vector<16xf32>
        %max3A_377 = arith.maximumf %get3A_350, %max3A_376 : vector<16xf32>
        %min3A_378 = vector.broadcast %while3A_156 : f32 to vector<16xf32>
        %min3A_379 = arith.minimumf %get3A_356, %min3A_378 : vector<16xf32>
        %min3A_380 = vector.broadcast %while3A_157 : f32 to vector<16xf32>
        %min3A_381 = arith.minimumf %get3A_362, %min3A_380 : vector<16xf32>
        %sub3A_382 = arith.subf %min3A_379, %max3A_375 : vector<16xf32>
        %max3A_383 = arith.constant 0.000000e+00 : f32
        %max3A_384 = vector.broadcast %max3A_383 : f32 to vector<16xf32>
        %max3A_385 = arith.maximumf %sub3A_382, %max3A_384 : vector<16xf32>
        %sub3A_386 = arith.subf %min3A_381, %max3A_377 : vector<16xf32>
        %max3A_387 = arith.constant 0.000000e+00 : f32
        %max3A_388 = vector.broadcast %max3A_387 : f32 to vector<16xf32>
        %max3A_389 = arith.maximumf %sub3A_386, %max3A_388 : vector<16xf32>
        %mul3A_390 = arith.mulf %max3A_385, %max3A_389 : vector<16xf32>
        %add3A_391 = vector.broadcast %while3A_158 : f32 to vector<16xf32>
        %add3A_392 = arith.addf %get3A_368, %add3A_391 : vector<16xf32>
        %sub3A_393 = arith.subf %add3A_392, %mul3A_390 : vector<16xf32>
        %add3A_394 = arith.constant 9.99999971E-10 : f32
        %add3A_395 = vector.broadcast %add3A_394 : f32 to vector<16xf32>
        %add3A_396 = arith.addf %sub3A_393, %add3A_395 : vector<16xf32>
        %div3A_397 = arith.divf %mul3A_390, %add3A_396 : vector<16xf32>
        %gt3A_398 = arith.constant 0.699999988 : f32
        %gt3A_399 = vector.broadcast %gt3A_398 : f32 to vector<16xf32>
        %gt3A_400 = arith.cmpf ogt, %div3A_397, %gt3A_399 : vector<16xf32>
        %and3A_401 = vector.broadcast %gt3A_161 : i1 to vector<16xi1>
        %and3A_402 = arith.andi %gt3A_400, %and3A_401 : vector<16xi1>
        %jit3A_403 = arith.constant -1.000000e+30 : f32
        %broadcast_in_dim3A_404 = vector.broadcast %jit3A_403 : f32 to vector<16xf32>
        %select_n3A_405 = arith.select %and3A_402, %broadcast_in_dim3A_404, %get3A_374 : vector<16xi1>, vector<16xf32>
        %mul3A_406 = arith.constant 16 : i32
        %mul3A_407 = arith.muli %scan3A_338, %mul3A_406 : i32
        %add3A_408 = arith.constant 3200 : i32
        %add3A_409 = arith.addi %add3A_408, %mul3A_407 : i32
        %swap3A_410 = arith.index_cast %add3A_409 : i32 to index
        %swap3A_411 = tpu.vector_load %arg6[%swap3A_410] {strides = array<i32>} : memref<3840xf32, #tpu.memory_space<vmem>>, vector<16xf32>,
        tpu.vector_store %arg6[%swap3A_410], %select_n3A_405 {strides = array<i32>} : memref<3840xf32, #tpu.memory_space<vmem>>, vector<16xf32>,
        %gt3A_412 = arith.cmpf ogt, %select_n3A_405, %scan3A_339 : vector<16xf32>
        %select_n3A_413 = arith.select %gt3A_412, %select_n3A_405, %scan3A_339 : vector<16xi1>, vector<16xf32>
        %mul3A_414 = arith.constant 16 : i32
        %mul3A_415 = arith.muli %scan3A_338, %mul3A_414 : i32
        %add3A_416 = vector.broadcast %mul3A_415 : i32 to vector<16xi32>
        %add3A_417 = arith.addi %add3A_416, %iota3A : vector<16xi32>
        %convert_element_type3A_418 = arith.sitofp %add3A_417 : vector<16xi32> to vector<16xf32>
        %select_n3A_419 = arith.select %gt3A_412, %convert_element_type3A_418, %scan3A_340 : vector<16xi1>, vector<16xf32>
        %scan3A_420 = arith.constant 1 : i32
        %scan3A_421 = arith.addi %scan3A_338, %scan3A_420 : i32
        %mul3A_422 = arith.constant 16 : i32
        %mul3A_423 = arith.muli %scan3A_421, %mul3A_422 : i32
        %get3A_424 = arith.index_cast %mul3A_423 : i32 to index
        %get3A_425 = tpu.vector_load %arg6[%get3A_424] {strides = array<i32>} : memref<3840xf32, #tpu.memory_space<vmem>>, vector<16xf32>,
        %mul3A_426 = arith.constant 16 : i32
        %mul3A_427 = arith.muli %scan3A_421, %mul3A_426 : i32
        %add3A_428 = arith.constant 640 : i32
        %add3A_429 = arith.addi %add3A_428, %mul3A_427 : i32
        %get3A_430 = arith.index_cast %add3A_429 : i32 to index
        %get3A_431 = tpu.vector_load %arg6[%get3A_430] {strides = array<i32>} : memref<3840xf32, #tpu.memory_space<vmem>>, vector<16xf32>,
        %mul3A_432 = arith.constant 16 : i32
        %mul3A_433 = arith.muli %scan3A_421, %mul3A_432 : i32
        %add3A_434 = arith.constant 1280 : i32
        %add3A_435 = arith.addi %add3A_434, %mul3A_433 : i32
        %get3A_436 = arith.index_cast %add3A_435 : i32 to index
        %get3A_437 = tpu.vector_load %arg6[%get3A_436] {strides = array<i32>} : memref<3840xf32, #tpu.memory_space<vmem>>, vector<16xf32>,
        %mul3A_438 = arith.constant 16 : i32
        %mul3A_439 = arith.muli %scan3A_421, %mul3A_438 : i32
        %add3A_440 = arith.constant 1920 : i32
        %add3A_441 = arith.addi %add3A_440, %mul3A_439 : i32
        %get3A_442 = arith.index_cast %add3A_441 : i32 to index
        %get3A_443 = tpu.vector_load %arg6[%get3A_442] {strides = array<i32>} : memref<3840xf32, #tpu.memory_space<vmem>>, vector<16xf32>,
        %mul3A_444 = arith.constant 16 : i32
        %mul3A_445 = arith.muli %scan3A_421, %mul3A_444 : i32
        %add3A_446 = arith.constant 2560 : i32
        %add3A_447 = arith.addi %add3A_446, %mul3A_445 : i32
        %get3A_448 = arith.index_cast %add3A_447 : i32 to index
        %get3A_449 = tpu.vector_load %arg6[%get3A_448] {strides = array<i32>} : memref<3840xf32, #tpu.memory_space<vmem>>, vector<16xf32>,
        %mul3A_450 = arith.constant 16 : i32
        %mul3A_451 = arith.muli %scan3A_421, %mul3A_450 : i32
        %add3A_452 = arith.constant 3200 : i32
        %add3A_453 = arith.addi %add3A_452, %mul3A_451 : i32
        %get3A_454 = arith.index_cast %add3A_453 : i32 to index
        %get3A_455 = tpu.vector_load %arg6[%get3A_454] {strides = array<i32>} : memref<3840xf32, #tpu.memory_space<vmem>>, vector<16xf32>,
        %max3A_456 = vector.broadcast %while3A_154 : f32 to vector<16xf32>
        %max3A_457 = arith.maximumf %get3A_425, %max3A_456 : vector<16xf32>
        %max3A_458 = vector.broadcast %while3A_155 : f32 to vector<16xf32>
        %max3A_459 = arith.maximumf %get3A_431, %max3A_458 : vector<16xf32>
        %min3A_460 = vector.broadcast %while3A_156 : f32 to vector<16xf32>
        %min3A_461 = arith.minimumf %get3A_437, %min3A_460 : vector<16xf32>
        %min3A_462 = vector.broadcast %while3A_157 : f32 to vector<16xf32>
        %min3A_463 = arith.minimumf %get3A_443, %min3A_462 : vector<16xf32>
        %sub3A_464 = arith.subf %min3A_461, %max3A_457 : vector<16xf32>
        %max3A_465 = arith.constant 0.000000e+00 : f32
        %max3A_466 = vector.broadcast %max3A_465 : f32 to vector<16xf32>
        %max3A_467 = arith.maximumf %sub3A_464, %max3A_466 : vector<16xf32>
        %sub3A_468 = arith.subf %min3A_463, %max3A_459 : vector<16xf32>
        %max3A_469 = arith.constant 0.000000e+00 : f32
        %max3A_470 = vector.broadcast %max3A_469 : f32 to vector<16xf32>
        %max3A_471 = arith.maximumf %sub3A_468, %max3A_470 : vector<16xf32>
        %mul3A_472 = arith.mulf %max3A_467, %max3A_471 : vector<16xf32>
        %add3A_473 = vector.broadcast %while3A_158 : f32 to vector<16xf32>
        %add3A_474 = arith.addf %get3A_449, %add3A_473 : vector<16xf32>
        %sub3A_475 = arith.subf %add3A_474, %mul3A_472 : vector<16xf32>
        %add3A_476 = arith.constant 9.99999971E-10 : f32
        %add3A_477 = vector.broadcast %add3A_476 : f32 to vector<16xf32>
        %add3A_478 = arith.addf %sub3A_475, %add3A_477 : vector<16xf32>
        %div3A_479 = arith.divf %mul3A_472, %add3A_478 : vector<16xf32>
        %gt3A_480 = arith.constant 0.699999988 : f32
        %gt3A_481 = vector.broadcast %gt3A_480 : f32 to vector<16xf32>
        %gt3A_482 = arith.cmpf ogt, %div3A_479, %gt3A_481 : vector<16xf32>
        %and3A_483 = vector.broadcast %gt3A_161 : i1 to vector<16xi1>
        %and3A_484 = arith.andi %gt3A_482, %and3A_483 : vector<16xi1>
        %jit3A_485 = arith.constant -1.000000e+30 : f32
        %broadcast_in_dim3A_486 = vector.broadcast %jit3A_485 : f32 to vector<16xf32>
        %select_n3A_487 = arith.select %and3A_484, %broadcast_in_dim3A_486, %get3A_455 : vector<16xi1>, vector<16xf32>
        %mul3A_488 = arith.constant 16 : i32
        %mul3A_489 = arith.muli %scan3A_421, %mul3A_488 : i32
        %add3A_490 = arith.constant 3200 : i32
        %add3A_491 = arith.addi %add3A_490, %mul3A_489 : i32
        %swap3A_492 = arith.index_cast %add3A_491 : i32 to index
        %swap3A_493 = tpu.vector_load %arg6[%swap3A_492] {strides = array<i32>} : memref<3840xf32, #tpu.memory_space<vmem>>, vector<16xf32>,
        tpu.vector_store %arg6[%swap3A_492], %select_n3A_487 {strides = array<i32>} : memref<3840xf32, #tpu.memory_space<vmem>>, vector<16xf32>,
        %gt3A_494 = arith.cmpf ogt, %select_n3A_487, %select_n3A_413 : vector<16xf32>
        %select_n3A_495 = arith.select %gt3A_494, %select_n3A_487, %select_n3A_413 : vector<16xi1>, vector<16xf32>
        %mul3A_496 = arith.constant 16 : i32
        %mul3A_497 = arith.muli %scan3A_421, %mul3A_496 : i32
        %add3A_498 = vector.broadcast %mul3A_497 : i32 to vector<16xi32>
        %add3A_499 = arith.addi %add3A_498, %iota3A : vector<16xi32>
        %convert_element_type3A_500 = arith.sitofp %add3A_499 : vector<16xi32> to vector<16xf32>
        %select_n3A_501 = arith.select %gt3A_494, %convert_element_type3A_500, %select_n3A_419 : vector<16xi1>, vector<16xf32>
        %scan3A_502 = arith.constant 2 : i32
        %scan3A_503 = arith.addi %scan3A_338, %scan3A_502 : i32
        %mul3A_504 = arith.constant 16 : i32
        %mul3A_505 = arith.muli %scan3A_503, %mul3A_504 : i32
        %get3A_506 = arith.index_cast %mul3A_505 : i32 to index
        %get3A_507 = tpu.vector_load %arg6[%get3A_506] {strides = array<i32>} : memref<3840xf32, #tpu.memory_space<vmem>>, vector<16xf32>,
        %mul3A_508 = arith.constant 16 : i32
        %mul3A_509 = arith.muli %scan3A_503, %mul3A_508 : i32
        %add3A_510 = arith.constant 640 : i32
        %add3A_511 = arith.addi %add3A_510, %mul3A_509 : i32
        %get3A_512 = arith.index_cast %add3A_511 : i32 to index
        %get3A_513 = tpu.vector_load %arg6[%get3A_512] {strides = array<i32>} : memref<3840xf32, #tpu.memory_space<vmem>>, vector<16xf32>,
        %mul3A_514 = arith.constant 16 : i32
        %mul3A_515 = arith.muli %scan3A_503, %mul3A_514 : i32
        %add3A_516 = arith.constant 1280 : i32
        %add3A_517 = arith.addi %add3A_516, %mul3A_515 : i32
        %get3A_518 = arith.index_cast %add3A_517 : i32 to index
        %get3A_519 = tpu.vector_load %arg6[%get3A_518] {strides = array<i32>} : memref<3840xf32, #tpu.memory_space<vmem>>, vector<16xf32>,
        %mul3A_520 = arith.constant 16 : i32
        %mul3A_521 = arith.muli %scan3A_503, %mul3A_520 : i32
        %add3A_522 = arith.constant 1920 : i32
        %add3A_523 = arith.addi %add3A_522, %mul3A_521 : i32
        %get3A_524 = arith.index_cast %add3A_523 : i32 to index
        %get3A_525 = tpu.vector_load %arg6[%get3A_524] {strides = array<i32>} : memref<3840xf32, #tpu.memory_space<vmem>>, vector<16xf32>,
        %mul3A_526 = arith.constant 16 : i32
        %mul3A_527 = arith.muli %scan3A_503, %mul3A_526 : i32
        %add3A_528 = arith.constant 2560 : i32
        %add3A_529 = arith.addi %add3A_528, %mul3A_527 : i32
        %get3A_530 = arith.index_cast %add3A_529 : i32 to index
        %get3A_531 = tpu.vector_load %arg6[%get3A_530] {strides = array<i32>} : memref<3840xf32, #tpu.memory_space<vmem>>, vector<16xf32>,
        %mul3A_532 = arith.constant 16 : i32
        %mul3A_533 = arith.muli %scan3A_503, %mul3A_532 : i32
        %add3A_534 = arith.constant 3200 : i32
        %add3A_535 = arith.addi %add3A_534, %mul3A_533 : i32
        %get3A_536 = arith.index_cast %add3A_535 : i32 to index
        %get3A_537 = tpu.vector_load %arg6[%get3A_536] {strides = array<i32>} : memref<3840xf32, #tpu.memory_space<vmem>>, vector<16xf32>,
        %max3A_538 = vector.broadcast %while3A_154 : f32 to vector<16xf32>
        %max3A_539 = arith.maximumf %get3A_507, %max3A_538 : vector<16xf32>
        %max3A_540 = vector.broadcast %while3A_155 : f32 to vector<16xf32>
        %max3A_541 = arith.maximumf %get3A_513, %max3A_540 : vector<16xf32>
        %min3A_542 = vector.broadcast %while3A_156 : f32 to vector<16xf32>
        %min3A_543 = arith.minimumf %get3A_519, %min3A_542 : vector<16xf32>
        %min3A_544 = vector.broadcast %while3A_157 : f32 to vector<16xf32>
        %min3A_545 = arith.minimumf %get3A_525, %min3A_544 : vector<16xf32>
        %sub3A_546 = arith.subf %min3A_543, %max3A_539 : vector<16xf32>
        %max3A_547 = arith.constant 0.000000e+00 : f32
        %max3A_548 = vector.broadcast %max3A_547 : f32 to vector<16xf32>
        %max3A_549 = arith.maximumf %sub3A_546, %max3A_548 : vector<16xf32>
        %sub3A_550 = arith.subf %min3A_545, %max3A_541 : vector<16xf32>
        %max3A_551 = arith.constant 0.000000e+00 : f32
        %max3A_552 = vector.broadcast %max3A_551 : f32 to vector<16xf32>
        %max3A_553 = arith.maximumf %sub3A_550, %max3A_552 : vector<16xf32>
        %mul3A_554 = arith.mulf %max3A_549, %max3A_553 : vector<16xf32>
        %add3A_555 = vector.broadcast %while3A_158 : f32 to vector<16xf32>
        %add3A_556 = arith.addf %get3A_531, %add3A_555 : vector<16xf32>
        %sub3A_557 = arith.subf %add3A_556, %mul3A_554 : vector<16xf32>
        %add3A_558 = arith.constant 9.99999971E-10 : f32
        %add3A_559 = vector.broadcast %add3A_558 : f32 to vector<16xf32>
        %add3A_560 = arith.addf %sub3A_557, %add3A_559 : vector<16xf32>
        %div3A_561 = arith.divf %mul3A_554, %add3A_560 : vector<16xf32>
        %gt3A_562 = arith.constant 0.699999988 : f32
        %gt3A_563 = vector.broadcast %gt3A_562 : f32 to vector<16xf32>
        %gt3A_564 = arith.cmpf ogt, %div3A_561, %gt3A_563 : vector<16xf32>
        %and3A_565 = vector.broadcast %gt3A_161 : i1 to vector<16xi1>
        %and3A_566 = arith.andi %gt3A_564, %and3A_565 : vector<16xi1>
        %jit3A_567 = arith.constant -1.000000e+30 : f32
        %broadcast_in_dim3A_568 = vector.broadcast %jit3A_567 : f32 to vector<16xf32>
        %select_n3A_569 = arith.select %and3A_566, %broadcast_in_dim3A_568, %get3A_537 : vector<16xi1>, vector<16xf32>
        %mul3A_570 = arith.constant 16 : i32
        %mul3A_571 = arith.muli %scan3A_503, %mul3A_570 : i32
        %add3A_572 = arith.constant 3200 : i32
        %add3A_573 = arith.addi %add3A_572, %mul3A_571 : i32
        %swap3A_574 = arith.index_cast %add3A_573 : i32 to index
        %swap3A_575 = tpu.vector_load %arg6[%swap3A_574] {strides = array<i32>} : memref<3840xf32, #tpu.memory_space<vmem>>, vector<16xf32>,
        tpu.vector_store %arg6[%swap3A_574], %select_n3A_569 {strides = array<i32>} : memref<3840xf32, #tpu.memory_space<vmem>>, vector<16xf32>,
        %gt3A_576 = arith.cmpf ogt, %select_n3A_569, %select_n3A_495 : vector<16xf32>
        %select_n3A_577 = arith.select %gt3A_576, %select_n3A_569, %select_n3A_495 : vector<16xi1>, vector<16xf32>
        %mul3A_578 = arith.constant 16 : i32
        %mul3A_579 = arith.muli %scan3A_503, %mul3A_578 : i32
        %add3A_580 = vector.broadcast %mul3A_579 : i32 to vector<16xi32>
        %add3A_581 = arith.addi %add3A_580, %iota3A : vector<16xi32>
        %convert_element_type3A_582 = arith.sitofp %add3A_581 : vector<16xi32> to vector<16xf32>
        %select_n3A_583 = arith.select %gt3A_576, %convert_element_type3A_582, %select_n3A_501 : vector<16xi1>, vector<16xf32>
        %scan3A_584 = arith.constant 3 : i32
        %scan3A_585 = arith.addi %scan3A_338, %scan3A_584 : i32
        %mul3A_586 = arith.constant 16 : i32
        %mul3A_587 = arith.muli %scan3A_585, %mul3A_586 : i32
        %get3A_588 = arith.index_cast %mul3A_587 : i32 to index
        %get3A_589 = tpu.vector_load %arg6[%get3A_588] {strides = array<i32>} : memref<3840xf32, #tpu.memory_space<vmem>>, vector<16xf32>,
        %mul3A_590 = arith.constant 16 : i32
        %mul3A_591 = arith.muli %scan3A_585, %mul3A_590 : i32
        %add3A_592 = arith.constant 640 : i32
        %add3A_593 = arith.addi %add3A_592, %mul3A_591 : i32
        %get3A_594 = arith.index_cast %add3A_593 : i32 to index
        %get3A_595 = tpu.vector_load %arg6[%get3A_594] {strides = array<i32>} : memref<3840xf32, #tpu.memory_space<vmem>>, vector<16xf32>,
        %mul3A_596 = arith.constant 16 : i32
        %mul3A_597 = arith.muli %scan3A_585, %mul3A_596 : i32
        %add3A_598 = arith.constant 1280 : i32
        %add3A_599 = arith.addi %add3A_598, %mul3A_597 : i32
        %get3A_600 = arith.index_cast %add3A_599 : i32 to index
        %get3A_601 = tpu.vector_load %arg6[%get3A_600] {strides = array<i32>} : memref<3840xf32, #tpu.memory_space<vmem>>, vector<16xf32>,
        %mul3A_602 = arith.constant 16 : i32
        %mul3A_603 = arith.muli %scan3A_585, %mul3A_602 : i32
        %add3A_604 = arith.constant 1920 : i32
        %add3A_605 = arith.addi %add3A_604, %mul3A_603 : i32
        %get3A_606 = arith.index_cast %add3A_605 : i32 to index
        %get3A_607 = tpu.vector_load %arg6[%get3A_606] {strides = array<i32>} : memref<3840xf32, #tpu.memory_space<vmem>>, vector<16xf32>,
        %mul3A_608 = arith.constant 16 : i32
        %mul3A_609 = arith.muli %scan3A_585, %mul3A_608 : i32
        %add3A_610 = arith.constant 2560 : i32
        %add3A_611 = arith.addi %add3A_610, %mul3A_609 : i32
        %get3A_612 = arith.index_cast %add3A_611 : i32 to index
        %get3A_613 = tpu.vector_load %arg6[%get3A_612] {strides = array<i32>} : memref<3840xf32, #tpu.memory_space<vmem>>, vector<16xf32>,
        %mul3A_614 = arith.constant 16 : i32
        %mul3A_615 = arith.muli %scan3A_585, %mul3A_614 : i32
        %add3A_616 = arith.constant 3200 : i32
        %add3A_617 = arith.addi %add3A_616, %mul3A_615 : i32
        %get3A_618 = arith.index_cast %add3A_617 : i32 to index
        %get3A_619 = tpu.vector_load %arg6[%get3A_618] {strides = array<i32>} : memref<3840xf32, #tpu.memory_space<vmem>>, vector<16xf32>,
        %max3A_620 = vector.broadcast %while3A_154 : f32 to vector<16xf32>
        %max3A_621 = arith.maximumf %get3A_589, %max3A_620 : vector<16xf32>
        %max3A_622 = vector.broadcast %while3A_155 : f32 to vector<16xf32>
        %max3A_623 = arith.maximumf %get3A_595, %max3A_622 : vector<16xf32>
        %min3A_624 = vector.broadcast %while3A_156 : f32 to vector<16xf32>
        %min3A_625 = arith.minimumf %get3A_601, %min3A_624 : vector<16xf32>
        %min3A_626 = vector.broadcast %while3A_157 : f32 to vector<16xf32>
        %min3A_627 = arith.minimumf %get3A_607, %min3A_626 : vector<16xf32>
        %sub3A_628 = arith.subf %min3A_625, %max3A_621 : vector<16xf32>
        %max3A_629 = arith.constant 0.000000e+00 : f32
        %max3A_630 = vector.broadcast %max3A_629 : f32 to vector<16xf32>
        %max3A_631 = arith.maximumf %sub3A_628, %max3A_630 : vector<16xf32>
        %sub3A_632 = arith.subf %min3A_627, %max3A_623 : vector<16xf32>
        %max3A_633 = arith.constant 0.000000e+00 : f32
        %max3A_634 = vector.broadcast %max3A_633 : f32 to vector<16xf32>
        %max3A_635 = arith.maximumf %sub3A_632, %max3A_634 : vector<16xf32>
        %mul3A_636 = arith.mulf %max3A_631, %max3A_635 : vector<16xf32>
        %add3A_637 = vector.broadcast %while3A_158 : f32 to vector<16xf32>
        %add3A_638 = arith.addf %get3A_613, %add3A_637 : vector<16xf32>
        %sub3A_639 = arith.subf %add3A_638, %mul3A_636 : vector<16xf32>
        %add3A_640 = arith.constant 9.99999971E-10 : f32
        %add3A_641 = vector.broadcast %add3A_640 : f32 to vector<16xf32>
        %add3A_642 = arith.addf %sub3A_639, %add3A_641 : vector<16xf32>
        %div3A_643 = arith.divf %mul3A_636, %add3A_642 : vector<16xf32>
        %gt3A_644 = arith.constant 0.699999988 : f32
        %gt3A_645 = vector.broadcast %gt3A_644 : f32 to vector<16xf32>
        %gt3A_646 = arith.cmpf ogt, %div3A_643, %gt3A_645 : vector<16xf32>
        %and3A_647 = vector.broadcast %gt3A_161 : i1 to vector<16xi1>
        %and3A_648 = arith.andi %gt3A_646, %and3A_647 : vector<16xi1>
        %jit3A_649 = arith.constant -1.000000e+30 : f32
        %broadcast_in_dim3A_650 = vector.broadcast %jit3A_649 : f32 to vector<16xf32>
        %select_n3A_651 = arith.select %and3A_648, %broadcast_in_dim3A_650, %get3A_619 : vector<16xi1>, vector<16xf32>
        %mul3A_652 = arith.constant 16 : i32
        %mul3A_653 = arith.muli %scan3A_585, %mul3A_652 : i32
        %add3A_654 = arith.constant 3200 : i32
        %add3A_655 = arith.addi %add3A_654, %mul3A_653 : i32
        %swap3A_656 = arith.index_cast %add3A_655 : i32 to index
        %swap3A_657 = tpu.vector_load %arg6[%swap3A_656] {strides = array<i32>} : memref<3840xf32, #tpu.memory_space<vmem>>, vector<16xf32>,
        tpu.vector_store %arg6[%swap3A_656], %select_n3A_651 {strides = array<i32>} : memref<3840xf32, #tpu.memory_space<vmem>>, vector<16xf32>,
        %gt3A_658 = arith.cmpf ogt, %select_n3A_651, %select_n3A_577 : vector<16xf32>
        %select_n3A_659 = arith.select %gt3A_658, %select_n3A_651, %select_n3A_577 : vector<16xi1>, vector<16xf32>
        %mul3A_660 = arith.constant 16 : i32
        %mul3A_661 = arith.muli %scan3A_585, %mul3A_660 : i32
        %add3A_662 = vector.broadcast %mul3A_661 : i32 to vector<16xi32>
        %add3A_663 = arith.addi %add3A_662, %iota3A : vector<16xi32>
        %convert_element_type3A_664 = arith.sitofp %add3A_663 : vector<16xi32> to vector<16xf32>
        %select_n3A_665 = arith.select %gt3A_658, %convert_element_type3A_664, %select_n3A_583 : vector<16xi1>, vector<16xf32>
        %scan3A_666 = arith.constant 4 : i32
        %scan3A_667 = arith.addi %scan3A_338, %scan3A_666 : i32
        %mul3A_668 = arith.constant 16 : i32
        %mul3A_669 = arith.muli %scan3A_667, %mul3A_668 : i32
        %get3A_670 = arith.index_cast %mul3A_669 : i32 to index
        %get3A_671 = tpu.vector_load %arg6[%get3A_670] {strides = array<i32>} : memref<3840xf32, #tpu.memory_space<vmem>>, vector<16xf32>,
        %mul3A_672 = arith.constant 16 : i32
        %mul3A_673 = arith.muli %scan3A_667, %mul3A_672 : i32
        %add3A_674 = arith.constant 640 : i32
        %add3A_675 = arith.addi %add3A_674, %mul3A_673 : i32
        %get3A_676 = arith.index_cast %add3A_675 : i32 to index
        %get3A_677 = tpu.vector_load %arg6[%get3A_676] {strides = array<i32>} : memref<3840xf32, #tpu.memory_space<vmem>>, vector<16xf32>,
        %mul3A_678 = arith.constant 16 : i32
        %mul3A_679 = arith.muli %scan3A_667, %mul3A_678 : i32
        %add3A_680 = arith.constant 1280 : i32
        %add3A_681 = arith.addi %add3A_680, %mul3A_679 : i32
        %get3A_682 = arith.index_cast %add3A_681 : i32 to index
        %get3A_683 = tpu.vector_load %arg6[%get3A_682] {strides = array<i32>} : memref<3840xf32, #tpu.memory_space<vmem>>, vector<16xf32>,
        %mul3A_684 = arith.constant 16 : i32
        %mul3A_685 = arith.muli %scan3A_667, %mul3A_684 : i32
        %add3A_686 = arith.constant 1920 : i32
        %add3A_687 = arith.addi %add3A_686, %mul3A_685 : i32
        %get3A_688 = arith.index_cast %add3A_687 : i32 to index
        %get3A_689 = tpu.vector_load %arg6[%get3A_688] {strides = array<i32>} : memref<3840xf32, #tpu.memory_space<vmem>>, vector<16xf32>,
        %mul3A_690 = arith.constant 16 : i32
        %mul3A_691 = arith.muli %scan3A_667, %mul3A_690 : i32
        %add3A_692 = arith.constant 2560 : i32
        %add3A_693 = arith.addi %add3A_692, %mul3A_691 : i32
        %get3A_694 = arith.index_cast %add3A_693 : i32 to index
        %get3A_695 = tpu.vector_load %arg6[%get3A_694] {strides = array<i32>} : memref<3840xf32, #tpu.memory_space<vmem>>, vector<16xf32>,
        %mul3A_696 = arith.constant 16 : i32
        %mul3A_697 = arith.muli %scan3A_667, %mul3A_696 : i32
        %add3A_698 = arith.constant 3200 : i32
        %add3A_699 = arith.addi %add3A_698, %mul3A_697 : i32
        %get3A_700 = arith.index_cast %add3A_699 : i32 to index
        %get3A_701 = tpu.vector_load %arg6[%get3A_700] {strides = array<i32>} : memref<3840xf32, #tpu.memory_space<vmem>>, vector<16xf32>,
        %max3A_702 = vector.broadcast %while3A_154 : f32 to vector<16xf32>
        %max3A_703 = arith.maximumf %get3A_671, %max3A_702 : vector<16xf32>
        %max3A_704 = vector.broadcast %while3A_155 : f32 to vector<16xf32>
        %max3A_705 = arith.maximumf %get3A_677, %max3A_704 : vector<16xf32>
        %min3A_706 = vector.broadcast %while3A_156 : f32 to vector<16xf32>
        %min3A_707 = arith.minimumf %get3A_683, %min3A_706 : vector<16xf32>
        %min3A_708 = vector.broadcast %while3A_157 : f32 to vector<16xf32>
        %min3A_709 = arith.minimumf %get3A_689, %min3A_708 : vector<16xf32>
        %sub3A_710 = arith.subf %min3A_707, %max3A_703 : vector<16xf32>
        %max3A_711 = arith.constant 0.000000e+00 : f32
        %max3A_712 = vector.broadcast %max3A_711 : f32 to vector<16xf32>
        %max3A_713 = arith.maximumf %sub3A_710, %max3A_712 : vector<16xf32>
        %sub3A_714 = arith.subf %min3A_709, %max3A_705 : vector<16xf32>
        %max3A_715 = arith.constant 0.000000e+00 : f32
        %max3A_716 = vector.broadcast %max3A_715 : f32 to vector<16xf32>
        %max3A_717 = arith.maximumf %sub3A_714, %max3A_716 : vector<16xf32>
        %mul3A_718 = arith.mulf %max3A_713, %max3A_717 : vector<16xf32>
        %add3A_719 = vector.broadcast %while3A_158 : f32 to vector<16xf32>
        %add3A_720 = arith.addf %get3A_695, %add3A_719 : vector<16xf32>
        %sub3A_721 = arith.subf %add3A_720, %mul3A_718 : vector<16xf32>
        %add3A_722 = arith.constant 9.99999971E-10 : f32
        %add3A_723 = vector.broadcast %add3A_722 : f32 to vector<16xf32>
        %add3A_724 = arith.addf %sub3A_721, %add3A_723 : vector<16xf32>
        %div3A_725 = arith.divf %mul3A_718, %add3A_724 : vector<16xf32>
        %gt3A_726 = arith.constant 0.699999988 : f32
        %gt3A_727 = vector.broadcast %gt3A_726 : f32 to vector<16xf32>
        %gt3A_728 = arith.cmpf ogt, %div3A_725, %gt3A_727 : vector<16xf32>
        %and3A_729 = vector.broadcast %gt3A_161 : i1 to vector<16xi1>
        %and3A_730 = arith.andi %gt3A_728, %and3A_729 : vector<16xi1>
        %jit3A_731 = arith.constant -1.000000e+30 : f32
        %broadcast_in_dim3A_732 = vector.broadcast %jit3A_731 : f32 to vector<16xf32>
        %select_n3A_733 = arith.select %and3A_730, %broadcast_in_dim3A_732, %get3A_701 : vector<16xi1>, vector<16xf32>
        %mul3A_734 = arith.constant 16 : i32
        %mul3A_735 = arith.muli %scan3A_667, %mul3A_734 : i32
        %add3A_736 = arith.constant 3200 : i32
        %add3A_737 = arith.addi %add3A_736, %mul3A_735 : i32
        %swap3A_738 = arith.index_cast %add3A_737 : i32 to index
        %swap3A_739 = tpu.vector_load %arg6[%swap3A_738] {strides = array<i32>} : memref<3840xf32, #tpu.memory_space<vmem>>, vector<16xf32>,
        tpu.vector_store %arg6[%swap3A_738], %select_n3A_733 {strides = array<i32>} : memref<3840xf32, #tpu.memory_space<vmem>>, vector<16xf32>,
        %gt3A_740 = arith.cmpf ogt, %select_n3A_733, %select_n3A_659 : vector<16xf32>
        %select_n3A_741 = arith.select %gt3A_740, %select_n3A_733, %select_n3A_659 : vector<16xi1>, vector<16xf32>
        %mul3A_742 = arith.constant 16 : i32
        %mul3A_743 = arith.muli %scan3A_667, %mul3A_742 : i32
        %add3A_744 = vector.broadcast %mul3A_743 : i32 to vector<16xi32>
        %add3A_745 = arith.addi %add3A_744, %iota3A : vector<16xi32>
        %convert_element_type3A_746 = arith.sitofp %add3A_745 : vector<16xi32> to vector<16xf32>
        %select_n3A_747 = arith.select %gt3A_740, %convert_element_type3A_746, %select_n3A_665 : vector<16xi1>, vector<16xf32>
        %scan3A_748 = arith.constant 5 : i32
        %scan3A_749 = arith.addi %scan3A_338, %scan3A_748 : i32
        %mul3A_750 = arith.constant 16 : i32
        %mul3A_751 = arith.muli %scan3A_749, %mul3A_750 : i32
        %get3A_752 = arith.index_cast %mul3A_751 : i32 to index
        %get3A_753 = tpu.vector_load %arg6[%get3A_752] {strides = array<i32>} : memref<3840xf32, #tpu.memory_space<vmem>>, vector<16xf32>,
        %mul3A_754 = arith.constant 16 : i32
        %mul3A_755 = arith.muli %scan3A_749, %mul3A_754 : i32
        %add3A_756 = arith.constant 640 : i32
        %add3A_757 = arith.addi %add3A_756, %mul3A_755 : i32
        %get3A_758 = arith.index_cast %add3A_757 : i32 to index
        %get3A_759 = tpu.vector_load %arg6[%get3A_758] {strides = array<i32>} : memref<3840xf32, #tpu.memory_space<vmem>>, vector<16xf32>,
        %mul3A_760 = arith.constant 16 : i32
        %mul3A_761 = arith.muli %scan3A_749, %mul3A_760 : i32
        %add3A_762 = arith.constant 1280 : i32
        %add3A_763 = arith.addi %add3A_762, %mul3A_761 : i32
        %get3A_764 = arith.index_cast %add3A_763 : i32 to index
        %get3A_765 = tpu.vector_load %arg6[%get3A_764] {strides = array<i32>} : memref<3840xf32, #tpu.memory_space<vmem>>, vector<16xf32>,
        %mul3A_766 = arith.constant 16 : i32
        %mul3A_767 = arith.muli %scan3A_749, %mul3A_766 : i32
        %add3A_768 = arith.constant 1920 : i32
        %add3A_769 = arith.addi %add3A_768, %mul3A_767 : i32
        %get3A_770 = arith.index_cast %add3A_769 : i32 to index
        %get3A_771 = tpu.vector_load %arg6[%get3A_770] {strides = array<i32>} : memref<3840xf32, #tpu.memory_space<vmem>>, vector<16xf32>,
        %mul3A_772 = arith.constant 16 : i32
        %mul3A_773 = arith.muli %scan3A_749, %mul3A_772 : i32
        %add3A_774 = arith.constant 2560 : i32
        %add3A_775 = arith.addi %add3A_774, %mul3A_773 : i32
        %get3A_776 = arith.index_cast %add3A_775 : i32 to index
        %get3A_777 = tpu.vector_load %arg6[%get3A_776] {strides = array<i32>} : memref<3840xf32, #tpu.memory_space<vmem>>, vector<16xf32>,
        %mul3A_778 = arith.constant 16 : i32
        %mul3A_779 = arith.muli %scan3A_749, %mul3A_778 : i32
        %add3A_780 = arith.constant 3200 : i32
        %add3A_781 = arith.addi %add3A_780, %mul3A_779 : i32
        %get3A_782 = arith.index_cast %add3A_781 : i32 to index
        %get3A_783 = tpu.vector_load %arg6[%get3A_782] {strides = array<i32>} : memref<3840xf32, #tpu.memory_space<vmem>>, vector<16xf32>,
        %max3A_784 = vector.broadcast %while3A_154 : f32 to vector<16xf32>
        %max3A_785 = arith.maximumf %get3A_753, %max3A_784 : vector<16xf32>
        %max3A_786 = vector.broadcast %while3A_155 : f32 to vector<16xf32>
        %max3A_787 = arith.maximumf %get3A_759, %max3A_786 : vector<16xf32>
        %min3A_788 = vector.broadcast %while3A_156 : f32 to vector<16xf32>
        %min3A_789 = arith.minimumf %get3A_765, %min3A_788 : vector<16xf32>
        %min3A_790 = vector.broadcast %while3A_157 : f32 to vector<16xf32>
        %min3A_791 = arith.minimumf %get3A_771, %min3A_790 : vector<16xf32>
        %sub3A_792 = arith.subf %min3A_789, %max3A_785 : vector<16xf32>
        %max3A_793 = arith.constant 0.000000e+00 : f32
        %max3A_794 = vector.broadcast %max3A_793 : f32 to vector<16xf32>
        %max3A_795 = arith.maximumf %sub3A_792, %max3A_794 : vector<16xf32>
        %sub3A_796 = arith.subf %min3A_791, %max3A_787 : vector<16xf32>
        %max3A_797 = arith.constant 0.000000e+00 : f32
        %max3A_798 = vector.broadcast %max3A_797 : f32 to vector<16xf32>
        %max3A_799 = arith.maximumf %sub3A_796, %max3A_798 : vector<16xf32>
        %mul3A_800 = arith.mulf %max3A_795, %max3A_799 : vector<16xf32>
        %add3A_801 = vector.broadcast %while3A_158 : f32 to vector<16xf32>
        %add3A_802 = arith.addf %get3A_777, %add3A_801 : vector<16xf32>
        %sub3A_803 = arith.subf %add3A_802, %mul3A_800 : vector<16xf32>
        %add3A_804 = arith.constant 9.99999971E-10 : f32
        %add3A_805 = vector.broadcast %add3A_804 : f32 to vector<16xf32>
        %add3A_806 = arith.addf %sub3A_803, %add3A_805 : vector<16xf32>
        %div3A_807 = arith.divf %mul3A_800, %add3A_806 : vector<16xf32>
        %gt3A_808 = arith.constant 0.699999988 : f32
        %gt3A_809 = vector.broadcast %gt3A_808 : f32 to vector<16xf32>
        %gt3A_810 = arith.cmpf ogt, %div3A_807, %gt3A_809 : vector<16xf32>
        %and3A_811 = vector.broadcast %gt3A_161 : i1 to vector<16xi1>
        %and3A_812 = arith.andi %gt3A_810, %and3A_811 : vector<16xi1>
        %jit3A_813 = arith.constant -1.000000e+30 : f32
        %broadcast_in_dim3A_814 = vector.broadcast %jit3A_813 : f32 to vector<16xf32>
        %select_n3A_815 = arith.select %and3A_812, %broadcast_in_dim3A_814, %get3A_783 : vector<16xi1>, vector<16xf32>
        %mul3A_816 = arith.constant 16 : i32
        %mul3A_817 = arith.muli %scan3A_749, %mul3A_816 : i32
        %add3A_818 = arith.constant 3200 : i32
        %add3A_819 = arith.addi %add3A_818, %mul3A_817 : i32
        %swap3A_820 = arith.index_cast %add3A_819 : i32 to index
        %swap3A_821 = tpu.vector_load %arg6[%swap3A_820] {strides = array<i32>} : memref<3840xf32, #tpu.memory_space<vmem>>, vector<16xf32>,
        tpu.vector_store %arg6[%swap3A_820], %select_n3A_815 {strides = array<i32>} : memref<3840xf32, #tpu.memory_space<vmem>>, vector<16xf32>,
        %gt3A_822 = arith.cmpf ogt, %select_n3A_815, %select_n3A_741 : vector<16xf32>
        %select_n3A_823 = arith.select %gt3A_822, %select_n3A_815, %select_n3A_741 : vector<16xi1>, vector<16xf32>
        %mul3A_824 = arith.constant 16 : i32
        %mul3A_825 = arith.muli %scan3A_749, %mul3A_824 : i32
        %add3A_826 = vector.broadcast %mul3A_825 : i32 to vector<16xi32>
        %add3A_827 = arith.addi %add3A_826, %iota3A : vector<16xi32>
        %convert_element_type3A_828 = arith.sitofp %add3A_827 : vector<16xi32> to vector<16xf32>
        %select_n3A_829 = arith.select %gt3A_822, %convert_element_type3A_828, %select_n3A_747 : vector<16xi1>, vector<16xf32>
        %scan3A_830 = arith.constant 6 : i32
        %scan3A_831 = arith.addi %scan3A_338, %scan3A_830 : i32
        %mul3A_832 = arith.constant 16 : i32
        %mul3A_833 = arith.muli %scan3A_831, %mul3A_832 : i32
        %get3A_834 = arith.index_cast %mul3A_833 : i32 to index
        %get3A_835 = tpu.vector_load %arg6[%get3A_834] {strides = array<i32>} : memref<3840xf32, #tpu.memory_space<vmem>>, vector<16xf32>,
        %mul3A_836 = arith.constant 16 : i32
        %mul3A_837 = arith.muli %scan3A_831, %mul3A_836 : i32
        %add3A_838 = arith.constant 640 : i32
        %add3A_839 = arith.addi %add3A_838, %mul3A_837 : i32
        %get3A_840 = arith.index_cast %add3A_839 : i32 to index
        %get3A_841 = tpu.vector_load %arg6[%get3A_840] {strides = array<i32>} : memref<3840xf32, #tpu.memory_space<vmem>>, vector<16xf32>,
        %mul3A_842 = arith.constant 16 : i32
        %mul3A_843 = arith.muli %scan3A_831, %mul3A_842 : i32
        %add3A_844 = arith.constant 1280 : i32
        %add3A_845 = arith.addi %add3A_844, %mul3A_843 : i32
        %get3A_846 = arith.index_cast %add3A_845 : i32 to index
        %get3A_847 = tpu.vector_load %arg6[%get3A_846] {strides = array<i32>} : memref<3840xf32, #tpu.memory_space<vmem>>, vector<16xf32>,
        %mul3A_848 = arith.constant 16 : i32
        %mul3A_849 = arith.muli %scan3A_831, %mul3A_848 : i32
        %add3A_850 = arith.constant 1920 : i32
        %add3A_851 = arith.addi %add3A_850, %mul3A_849 : i32
        %get3A_852 = arith.index_cast %add3A_851 : i32 to index
        %get3A_853 = tpu.vector_load %arg6[%get3A_852] {strides = array<i32>} : memref<3840xf32, #tpu.memory_space<vmem>>, vector<16xf32>,
        %mul3A_854 = arith.constant 16 : i32
        %mul3A_855 = arith.muli %scan3A_831, %mul3A_854 : i32
        %add3A_856 = arith.constant 2560 : i32
        %add3A_857 = arith.addi %add3A_856, %mul3A_855 : i32
        %get3A_858 = arith.index_cast %add3A_857 : i32 to index
        %get3A_859 = tpu.vector_load %arg6[%get3A_858] {strides = array<i32>} : memref<3840xf32, #tpu.memory_space<vmem>>, vector<16xf32>,
        %mul3A_860 = arith.constant 16 : i32
        %mul3A_861 = arith.muli %scan3A_831, %mul3A_860 : i32
        %add3A_862 = arith.constant 3200 : i32
        %add3A_863 = arith.addi %add3A_862, %mul3A_861 : i32
        %get3A_864 = arith.index_cast %add3A_863 : i32 to index
        %get3A_865 = tpu.vector_load %arg6[%get3A_864] {strides = array<i32>} : memref<3840xf32, #tpu.memory_space<vmem>>, vector<16xf32>,
        %max3A_866 = vector.broadcast %while3A_154 : f32 to vector<16xf32>
        %max3A_867 = arith.maximumf %get3A_835, %max3A_866 : vector<16xf32>
        %max3A_868 = vector.broadcast %while3A_155 : f32 to vector<16xf32>
        %max3A_869 = arith.maximumf %get3A_841, %max3A_868 : vector<16xf32>
        %min3A_870 = vector.broadcast %while3A_156 : f32 to vector<16xf32>
        %min3A_871 = arith.minimumf %get3A_847, %min3A_870 : vector<16xf32>
        %min3A_872 = vector.broadcast %while3A_157 : f32 to vector<16xf32>
        %min3A_873 = arith.minimumf %get3A_853, %min3A_872 : vector<16xf32>
        %sub3A_874 = arith.subf %min3A_871, %max3A_867 : vector<16xf32>
        %max3A_875 = arith.constant 0.000000e+00 : f32
        %max3A_876 = vector.broadcast %max3A_875 : f32 to vector<16xf32>
        %max3A_877 = arith.maximumf %sub3A_874, %max3A_876 : vector<16xf32>
        %sub3A_878 = arith.subf %min3A_873, %max3A_869 : vector<16xf32>
        %max3A_879 = arith.constant 0.000000e+00 : f32
        %max3A_880 = vector.broadcast %max3A_879 : f32 to vector<16xf32>
        %max3A_881 = arith.maximumf %sub3A_878, %max3A_880 : vector<16xf32>
        %mul3A_882 = arith.mulf %max3A_877, %max3A_881 : vector<16xf32>
        %add3A_883 = vector.broadcast %while3A_158 : f32 to vector<16xf32>
        %add3A_884 = arith.addf %get3A_859, %add3A_883 : vector<16xf32>
        %sub3A_885 = arith.subf %add3A_884, %mul3A_882 : vector<16xf32>
        %add3A_886 = arith.constant 9.99999971E-10 : f32
        %add3A_887 = vector.broadcast %add3A_886 : f32 to vector<16xf32>
        %add3A_888 = arith.addf %sub3A_885, %add3A_887 : vector<16xf32>
        %div3A_889 = arith.divf %mul3A_882, %add3A_888 : vector<16xf32>
        %gt3A_890 = arith.constant 0.699999988 : f32
        %gt3A_891 = vector.broadcast %gt3A_890 : f32 to vector<16xf32>
        %gt3A_892 = arith.cmpf ogt, %div3A_889, %gt3A_891 : vector<16xf32>
        %and3A_893 = vector.broadcast %gt3A_161 : i1 to vector<16xi1>
        %and3A_894 = arith.andi %gt3A_892, %and3A_893 : vector<16xi1>
        %jit3A_895 = arith.constant -1.000000e+30 : f32
        %broadcast_in_dim3A_896 = vector.broadcast %jit3A_895 : f32 to vector<16xf32>
        %select_n3A_897 = arith.select %and3A_894, %broadcast_in_dim3A_896, %get3A_865 : vector<16xi1>, vector<16xf32>
        %mul3A_898 = arith.constant 16 : i32
        %mul3A_899 = arith.muli %scan3A_831, %mul3A_898 : i32
        %add3A_900 = arith.constant 3200 : i32
        %add3A_901 = arith.addi %add3A_900, %mul3A_899 : i32
        %swap3A_902 = arith.index_cast %add3A_901 : i32 to index
        %swap3A_903 = tpu.vector_load %arg6[%swap3A_902] {strides = array<i32>} : memref<3840xf32, #tpu.memory_space<vmem>>, vector<16xf32>,
        tpu.vector_store %arg6[%swap3A_902], %select_n3A_897 {strides = array<i32>} : memref<3840xf32, #tpu.memory_space<vmem>>, vector<16xf32>,
        %gt3A_904 = arith.cmpf ogt, %select_n3A_897, %select_n3A_823 : vector<16xf32>
        %select_n3A_905 = arith.select %gt3A_904, %select_n3A_897, %select_n3A_823 : vector<16xi1>, vector<16xf32>
        %mul3A_906 = arith.constant 16 : i32
        %mul3A_907 = arith.muli %scan3A_831, %mul3A_906 : i32
        %add3A_908 = vector.broadcast %mul3A_907 : i32 to vector<16xi32>
        %add3A_909 = arith.addi %add3A_908, %iota3A : vector<16xi32>
        %convert_element_type3A_910 = arith.sitofp %add3A_909 : vector<16xi32> to vector<16xf32>
        %select_n3A_911 = arith.select %gt3A_904, %convert_element_type3A_910, %select_n3A_829 : vector<16xi1>, vector<16xf32>
        %scan3A_912 = arith.constant 7 : i32
        %scan3A_913 = arith.addi %scan3A_338, %scan3A_912 : i32
        %mul3A_914 = arith.constant 16 : i32
        %mul3A_915 = arith.muli %scan3A_913, %mul3A_914 : i32
        %get3A_916 = arith.index_cast %mul3A_915 : i32 to index
        %get3A_917 = tpu.vector_load %arg6[%get3A_916] {strides = array<i32>} : memref<3840xf32, #tpu.memory_space<vmem>>, vector<16xf32>,
        %mul3A_918 = arith.constant 16 : i32
        %mul3A_919 = arith.muli %scan3A_913, %mul3A_918 : i32
        %add3A_920 = arith.constant 640 : i32
        %add3A_921 = arith.addi %add3A_920, %mul3A_919 : i32
        %get3A_922 = arith.index_cast %add3A_921 : i32 to index
        %get3A_923 = tpu.vector_load %arg6[%get3A_922] {strides = array<i32>} : memref<3840xf32, #tpu.memory_space<vmem>>, vector<16xf32>,
        %mul3A_924 = arith.constant 16 : i32
        %mul3A_925 = arith.muli %scan3A_913, %mul3A_924 : i32
        %add3A_926 = arith.constant 1280 : i32
        %add3A_927 = arith.addi %add3A_926, %mul3A_925 : i32
        %get3A_928 = arith.index_cast %add3A_927 : i32 to index
        %get3A_929 = tpu.vector_load %arg6[%get3A_928] {strides = array<i32>} : memref<3840xf32, #tpu.memory_space<vmem>>, vector<16xf32>,
        %mul3A_930 = arith.constant 16 : i32
        %mul3A_931 = arith.muli %scan3A_913, %mul3A_930 : i32
        %add3A_932 = arith.constant 1920 : i32
        %add3A_933 = arith.addi %add3A_932, %mul3A_931 : i32
        %get3A_934 = arith.index_cast %add3A_933 : i32 to index
        %get3A_935 = tpu.vector_load %arg6[%get3A_934] {strides = array<i32>} : memref<3840xf32, #tpu.memory_space<vmem>>, vector<16xf32>,
        %mul3A_936 = arith.constant 16 : i32
        %mul3A_937 = arith.muli %scan3A_913, %mul3A_936 : i32
        %add3A_938 = arith.constant 2560 : i32
        %add3A_939 = arith.addi %add3A_938, %mul3A_937 : i32
        %get3A_940 = arith.index_cast %add3A_939 : i32 to index
        %get3A_941 = tpu.vector_load %arg6[%get3A_940] {strides = array<i32>} : memref<3840xf32, #tpu.memory_space<vmem>>, vector<16xf32>,
        %mul3A_942 = arith.constant 16 : i32
        %mul3A_943 = arith.muli %scan3A_913, %mul3A_942 : i32
        %add3A_944 = arith.constant 3200 : i32
        %add3A_945 = arith.addi %add3A_944, %mul3A_943 : i32
        %get3A_946 = arith.index_cast %add3A_945 : i32 to index
        %get3A_947 = tpu.vector_load %arg6[%get3A_946] {strides = array<i32>} : memref<3840xf32, #tpu.memory_space<vmem>>, vector<16xf32>,
        %max3A_948 = vector.broadcast %while3A_154 : f32 to vector<16xf32>
        %max3A_949 = arith.maximumf %get3A_917, %max3A_948 : vector<16xf32>
        %max3A_950 = vector.broadcast %while3A_155 : f32 to vector<16xf32>
        %max3A_951 = arith.maximumf %get3A_923, %max3A_950 : vector<16xf32>
        %min3A_952 = vector.broadcast %while3A_156 : f32 to vector<16xf32>
        %min3A_953 = arith.minimumf %get3A_929, %min3A_952 : vector<16xf32>
        %min3A_954 = vector.broadcast %while3A_157 : f32 to vector<16xf32>
        %min3A_955 = arith.minimumf %get3A_935, %min3A_954 : vector<16xf32>
        %sub3A_956 = arith.subf %min3A_953, %max3A_949 : vector<16xf32>
        %max3A_957 = arith.constant 0.000000e+00 : f32
        %max3A_958 = vector.broadcast %max3A_957 : f32 to vector<16xf32>
        %max3A_959 = arith.maximumf %sub3A_956, %max3A_958 : vector<16xf32>
        %sub3A_960 = arith.subf %min3A_955, %max3A_951 : vector<16xf32>
        %max3A_961 = arith.constant 0.000000e+00 : f32
        %max3A_962 = vector.broadcast %max3A_961 : f32 to vector<16xf32>
        %max3A_963 = arith.maximumf %sub3A_960, %max3A_962 : vector<16xf32>
        %mul3A_964 = arith.mulf %max3A_959, %max3A_963 : vector<16xf32>
        %add3A_965 = vector.broadcast %while3A_158 : f32 to vector<16xf32>
        %add3A_966 = arith.addf %get3A_941, %add3A_965 : vector<16xf32>
        %sub3A_967 = arith.subf %add3A_966, %mul3A_964 : vector<16xf32>
        %add3A_968 = arith.constant 9.99999971E-10 : f32
        %add3A_969 = vector.broadcast %add3A_968 : f32 to vector<16xf32>
        %add3A_970 = arith.addf %sub3A_967, %add3A_969 : vector<16xf32>
        %div3A_971 = arith.divf %mul3A_964, %add3A_970 : vector<16xf32>
        %gt3A_972 = arith.constant 0.699999988 : f32
        %gt3A_973 = vector.broadcast %gt3A_972 : f32 to vector<16xf32>
        %gt3A_974 = arith.cmpf ogt, %div3A_971, %gt3A_973 : vector<16xf32>
        %and3A_975 = vector.broadcast %gt3A_161 : i1 to vector<16xi1>
        %and3A_976 = arith.andi %gt3A_974, %and3A_975 : vector<16xi1>
        %jit3A_977 = arith.constant -1.000000e+30 : f32
        %broadcast_in_dim3A_978 = vector.broadcast %jit3A_977 : f32 to vector<16xf32>
        %select_n3A_979 = arith.select %and3A_976, %broadcast_in_dim3A_978, %get3A_947 : vector<16xi1>, vector<16xf32>
        %mul3A_980 = arith.constant 16 : i32
        %mul3A_981 = arith.muli %scan3A_913, %mul3A_980 : i32
        %add3A_982 = arith.constant 3200 : i32
        %add3A_983 = arith.addi %add3A_982, %mul3A_981 : i32
        %swap3A_984 = arith.index_cast %add3A_983 : i32 to index
        %swap3A_985 = tpu.vector_load %arg6[%swap3A_984] {strides = array<i32>} : memref<3840xf32, #tpu.memory_space<vmem>>, vector<16xf32>,
        tpu.vector_store %arg6[%swap3A_984], %select_n3A_979 {strides = array<i32>} : memref<3840xf32, #tpu.memory_space<vmem>>, vector<16xf32>,
        %gt3A_986 = arith.cmpf ogt, %select_n3A_979, %select_n3A_905 : vector<16xf32>
        %select_n3A_987 = arith.select %gt3A_986, %select_n3A_979, %select_n3A_905 : vector<16xi1>, vector<16xf32>
        %mul3A_988 = arith.constant 16 : i32
        %mul3A_989 = arith.muli %scan3A_913, %mul3A_988 : i32
        %add3A_990 = vector.broadcast %mul3A_989 : i32 to vector<16xi32>
        %add3A_991 = arith.addi %add3A_990, %iota3A : vector<16xi32>
        %convert_element_type3A_992 = arith.sitofp %add3A_991 : vector<16xi32> to vector<16xf32>
        %select_n3A_993 = arith.select %gt3A_986, %convert_element_type3A_992, %select_n3A_911 : vector<16xi1>, vector<16xf32>
        scf.yield %select_n3A_987, %select_n3A_993 : vector<16xf32>, vector<16xf32>
      }
      %scan3A_171 = arith.constant 40 : i32
      %reduce_max3A_172 = arith.constant true
      %reduce_max3A_173 = vector.broadcast %reduce_max3A_172 : i1 to vector<16xi1>
      %reduce_max3A_174 = tpu.scan <max>, %scan3A_170#0 masked %reduce_max3A_173 : vector<16xf32>, vector<16xi1> -> vector<16xf32>
      %reduce_max3A_175 = vector.extract %reduce_max3A_174[15] : f32 from vector<16xf32>
      %eq3A_176 = vector.broadcast %reduce_max3A_175 : f32 to vector<16xf32>
      %eq3A_177 = arith.cmpf oeq, %scan3A_170#0, %eq3A_176 : vector<16xf32>
      %jit3A_178 = arith.constant 1.000000e+30 : f32
      %broadcast_in_dim3A_179 = vector.broadcast %jit3A_178 : f32 to vector<16xf32>
      %select_n3A_180 = arith.select %eq3A_177, %scan3A_170#1, %broadcast_in_dim3A_179 : vector<16xi1>, vector<16xf32>
      %reduce_min3A = arith.constant true
      %reduce_min3A_181 = vector.broadcast %reduce_min3A : i1 to vector<16xi1>
      %reduce_min3A_182 = tpu.scan <min>, %select_n3A_180 masked %reduce_min3A_181 : vector<16xf32>, vector<16xi1> -> vector<16xf32>
      %reduce_min3A_183 = vector.extract %reduce_min3A_182[15] : f32 from vector<16xf32>
      %convert_element_type3A_184 = arith.fptosi %reduce_min3A_183 : f32 to i32
      %min3A_185 = arith.constant 639 : i32
      %min3A_186 = arith.minsi %convert_element_type3A_184, %min3A_185 : i32
      %add3A_187 = vector.broadcast %min3A_186 : i32 to vector<16xi32>
      %add3A_188 = arith.addi %add3A_187, %add3A_133 : vector<16xi32>
      %gather3A = tpu.vector_load_idx %arg6[%add3A_188] : memref<3840xf32, #tpu.memory_space<vmem>>[vector<16xi32>], vector<16xf32>,
      %eq3A_189 = arith.constant 0 : i32
      %eq3A_190 = vector.broadcast %eq3A_189 : i32 to vector<16xi32>
      %eq3A_191 = arith.cmpi eq, %iota3A, %eq3A_190 : vector<16xi32>
      %broadcast_in_dim3A_192 = vector.broadcast %reduce_max3A_175 : f32 to vector<16xf32>
      %select_n3A_193 = arith.select %eq3A_191, %broadcast_in_dim3A_192, %gather3A : vector<16xi1>, vector<16xf32>
      %eq3A_194 = arith.constant 1 : i32
      %eq3A_195 = vector.broadcast %eq3A_194 : i32 to vector<16xi32>
      %eq3A_196 = arith.cmpi eq, %iota3A, %eq3A_195 : vector<16xi32>
      %mul3A_197 = arith.constant 640 : i32
      %mul3A_198 = arith.muli %select_n3A_30, %mul3A_197 : i32
      %add3A_199 = arith.addi %mul3A_198, %min3A_186 : i32
      %convert_element_type3A_200 = arith.sitofp %add3A_199 : i32 to f32
      %broadcast_in_dim3A_201 = vector.broadcast %convert_element_type3A_200 : f32 to vector<16xf32>
      %select_n3A_202 = arith.select %eq3A_196, %broadcast_in_dim3A_201, %select_n3A_193 : vector<16xi1>, vector<16xf32>
      %swap3A_203 = arith.constant 0 : index
      %swap3A_204 = tpu.vector_load %arg7[%swap3A_203] {strides = array<i32>} : memref<16xf32, #tpu.memory_space<vmem>>, vector<16xf32>,
      tpu.vector_store %arg7[%swap3A_203], %select_n3A_202 {strides = array<i32>} : memref<16xf32, #tpu.memory_space<vmem>>, vector<16xf32>,
      %rem3A_205 = arith.constant 2 : i32
      %rem3A_206 = arith.remsi %while3A_153, %rem3A_205 : i32
      %mul3A_207 = arith.constant 256 : i32
      %mul3A_208 = arith.muli %rem3A_206, %mul3A_207 : i32
      %mul3A_209 = arith.constant 16 : i32
      %mul3A_210 = arith.muli %arg1, %mul3A_209 : i32
      %add3A_211 = arith.addi %mul3A_208, %mul3A_210 : i32
      "tpu.region"() ({
        %run_scoped3A = tpu.sem_alloc : memref<!tpu.dma_semaphore, #tpu.memory_space<semaphore_mem>>
        %dma_start3A = tpu.memref_slice %arg11[%add3A_211] : memref<512xf32, #tpu.memory_space<vmem_shared>> -> memref<16xf32, #tpu.memory_space<vmem_shared>>
        %dma_start3A_338 = tpu.memref_slice %arg11[%add3A_211] : memref<512xf32, #tpu.memory_space<vmem_shared>> -> memref<16xf32, #tpu.memory_space<vmem_shared>>
        tpu.enqueue_dma source(%arg7 : memref<16xf32, #tpu.memory_space<vmem>>) target(%dma_start3A_338 : memref<16xf32, #tpu.memory_space<vmem_shared>>) target_semaphore(%run_scoped3A : memref<!tpu.dma_semaphore, #tpu.memory_space<semaphore_mem>>)
        %dma_wait3A = tpu.memref_slice %arg11[%add3A_211] : memref<512xf32, #tpu.memory_space<vmem_shared>> -> memref<16xf32, #tpu.memory_space<vmem_shared>>
        %dma_wait3A_339 = tpu.memref_slice %arg11[%add3A_211] : memref<512xf32, #tpu.memory_space<vmem_shared>> -> memref<16xf32, #tpu.memory_space<vmem_shared>>
        tpu.wait_dma2 semaphore(%run_scoped3A : memref<!tpu.dma_semaphore, #tpu.memory_space<semaphore_mem>>) src(%arg7 : memref<16xf32, #tpu.memory_space<vmem>>) dst(%dma_wait3A_339 : memref<16xf32, #tpu.memory_space<vmem_shared>>)
        tpu.yield
      }) : () -> ()
      %barrier3A = arith.constant 0 : index
      tpu.barrier barrier_id(%barrier3A)
      "tpu.region"() ({
        %run_scoped3A = tpu.sem_alloc : memref<!tpu.dma_semaphore, #tpu.memory_space<semaphore_mem>>
        %dma_start3A = tpu.memref_slice %arg11[%mul3A_208] : memref<512xf32, #tpu.memory_space<vmem_shared>> -> memref<256xf32, #tpu.memory_space<vmem_shared>>
        %dma_start3A_338 = tpu.memref_slice %arg11[%mul3A_208] : memref<512xf32, #tpu.memory_space<vmem_shared>> -> memref<256xf32, #tpu.memory_space<vmem_shared>>
        tpu.enqueue_dma source(%dma_start3A_338 : memref<256xf32, #tpu.memory_space<vmem_shared>>) target(%arg8 : memref<256xf32, #tpu.memory_space<vmem>>) target_semaphore(%run_scoped3A : memref<!tpu.dma_semaphore, #tpu.memory_space<semaphore_mem>>)
        %dma_wait3A = tpu.memref_slice %arg11[%mul3A_208] : memref<512xf32, #tpu.memory_space<vmem_shared>> -> memref<256xf32, #tpu.memory_space<vmem_shared>>
        %dma_wait3A_339 = tpu.memref_slice %arg11[%mul3A_208] : memref<512xf32, #tpu.memory_space<vmem_shared>> -> memref<256xf32, #tpu.memory_space<vmem_shared>>
        tpu.wait_dma2 semaphore(%run_scoped3A : memref<!tpu.dma_semaphore, #tpu.memory_space<semaphore_mem>>) src(%dma_wait3A_339 : memref<256xf32, #tpu.memory_space<vmem_shared>>) dst(%arg8 : memref<256xf32, #tpu.memory_space<vmem>>)
        tpu.yield
      }) : () -> ()
      %mul3A_212 = arith.constant 16 : i32
      %mul3A_213 = vector.broadcast %mul3A_212 : i32 to vector<16xi32>
      %mul3A_214 = arith.muli %iota3A, %mul3A_213 : vector<16xi32>
      %gather3A_215 = tpu.vector_load_idx %arg8[%mul3A_214] : memref<256xf32, #tpu.memory_space<vmem>>[vector<16xi32>], vector<16xf32>,
      %mul3A_216 = arith.constant 16 : i32
      %mul3A_217 = vector.broadcast %mul3A_216 : i32 to vector<16xi32>
      %mul3A_218 = arith.muli %iota3A, %mul3A_217 : vector<16xi32>
      %add3A_219 = arith.constant 1 : i32
      %add3A_220 = vector.broadcast %add3A_219 : i32 to vector<16xi32>
      %add3A_221 = arith.addi %mul3A_218, %add3A_220 : vector<16xi32>
      %gather3A_222 = tpu.vector_load_idx %arg8[%add3A_221] : memref<256xf32, #tpu.memory_space<vmem>>[vector<16xi32>], vector<16xf32>,
      %ge3A = vector.broadcast %mul3A_32 : i32 to vector<16xi32>
      %ge3A_223 = arith.cmpi sge, %iota3A, %ge3A : vector<16xi32>
      %add3A_224 = arith.constant 8 : i32
      %add3A_225 = arith.addi %mul3A_32, %add3A_224 : i32
      %lt3A_226 = vector.broadcast %add3A_225 : i32 to vector<16xi32>
      %lt3A_227 = arith.cmpi slt, %iota3A, %lt3A_226 : vector<16xi32>
      %and3A_228 = arith.andi %ge3A_223, %lt3A_227 : vector<16xi1>
      %jit3A_229 = arith.constant -1.000000e+30 : f32
      %broadcast_in_dim3A_230 = vector.broadcast %jit3A_229 : f32 to vector<16xf32>
      %select_n3A_231 = arith.select %and3A_228, %gather3A_215, %broadcast_in_dim3A_230 : vector<16xi1>, vector<16xf32>
      %jit3A_232 = arith.constant -1.000000e+30 : f32
      %broadcast_in_dim3A_233 = vector.broadcast %jit3A_232 : f32 to vector<16xf32>
      %select_n3A_234 = arith.select %and3A_228, %broadcast_in_dim3A_233, %gather3A_215 : vector<16xi1>, vector<16xf32>
      %reduce_max3A_235 = arith.constant true
      %reduce_max3A_236 = vector.broadcast %reduce_max3A_235 : i1 to vector<16xi1>
      %reduce_max3A_237 = tpu.scan <max>, %select_n3A_234 masked %reduce_max3A_236 : vector<16xf32>, vector<16xi1> -> vector<16xf32>
      %reduce_max3A_238 = vector.extract %reduce_max3A_237[15] : f32 from vector<16xf32>
      %reduce_max3A_239 = arith.constant true
      %reduce_max3A_240 = vector.broadcast %reduce_max3A_239 : i1 to vector<16xi1>
      %reduce_max3A_241 = tpu.scan <max>, %select_n3A_231 masked %reduce_max3A_240 : vector<16xf32>, vector<16xi1> -> vector<16xf32>
      %reduce_max3A_242 = vector.extract %reduce_max3A_241[15] : f32 from vector<16xf32>
      %eq3A_243 = vector.broadcast %reduce_max3A_242 : f32 to vector<16xf32>
      %eq3A_244 = arith.cmpf oeq, %select_n3A_231, %eq3A_243 : vector<16xf32>
      %jit3A_245 = arith.constant 1.000000e+30 : f32
      %broadcast_in_dim3A_246 = vector.broadcast %jit3A_245 : f32 to vector<16xf32>
      %select_n3A_247 = arith.select %eq3A_244, %gather3A_222, %broadcast_in_dim3A_246 : vector<16xi1>, vector<16xf32>
      %reduce_min3A_248 = arith.constant true
      %reduce_min3A_249 = vector.broadcast %reduce_min3A_248 : i1 to vector<16xi1>
      %reduce_min3A_250 = tpu.scan <min>, %select_n3A_247 masked %reduce_min3A_249 : vector<16xf32>, vector<16xi1> -> vector<16xf32>
      %reduce_min3A_251 = vector.extract %reduce_min3A_250[15] : f32 from vector<16xf32>
      %convert_element_type3A_252 = arith.sitofp %iota3A : vector<16xi32> to vector<16xf32>
      %eq3A_253 = vector.broadcast %reduce_max3A_242 : f32 to vector<16xf32>
      %eq3A_254 = arith.cmpf oeq, %select_n3A_231, %eq3A_253 : vector<16xf32>
      %eq3A_255 = vector.broadcast %reduce_min3A_251 : f32 to vector<16xf32>
      %eq3A_256 = arith.cmpf oeq, %gather3A_222, %eq3A_255 : vector<16xf32>
      %and3A_257 = arith.andi %eq3A_254, %eq3A_256 : vector<16xi1>
      %jit3A_258 = arith.constant 1.000000e+30 : f32
      %broadcast_in_dim3A_259 = vector.broadcast %jit3A_258 : f32 to vector<16xf32>
      %select_n3A_260 = arith.select %and3A_257, %convert_element_type3A_252, %broadcast_in_dim3A_259 : vector<16xi1>, vector<16xf32>
      %reduce_min3A_261 = arith.constant true
      %reduce_min3A_262 = vector.broadcast %reduce_min3A_261 : i1 to vector<16xi1>
      %reduce_min3A_263 = tpu.scan <min>, %select_n3A_260 masked %reduce_min3A_262 : vector<16xf32>, vector<16xi1> -> vector<16xf32>
      %reduce_min3A_264 = vector.extract %reduce_min3A_263[15] : f32 from vector<16xf32>
      %convert_element_type3A_265 = arith.fptosi %reduce_min3A_264 : f32 to i32
      %min3A_266 = arith.constant 15 : i32
      %min3A_267 = arith.minsi %convert_element_type3A_265, %min3A_266 : i32
      %mul3A_268 = arith.constant 16 : i32
      %mul3A_269 = arith.muli %min3A_267, %mul3A_268 : i32
      %add3A_270 = vector.broadcast %mul3A_269 : i32 to vector<16xi32>
      %add3A_271 = arith.addi %add3A_270, %iota3A : vector<16xi32>
      %gather3A_272 = tpu.vector_load_idx %arg8[%add3A_271] : memref<256xf32, #tpu.memory_space<vmem>>[vector<16xi32>], vector<16xf32>,
      %slice3A = vector.extract_strided_slice %gather3A_272 {offsets = [2], sizes = [1], strides = [1]} : vector<16xf32> to vector<1xf32>
      %squeeze3A = vector.extract %slice3A[0] : f32 from vector<1xf32>
      %slice3A_273 = vector.extract_strided_slice %gather3A_272 {offsets = [3], sizes = [1], strides = [1]} : vector<16xf32> to vector<1xf32>
      %squeeze3A_274 = vector.extract %slice3A_273[0] : f32 from vector<1xf32>
      %slice3A_275 = vector.extract_strided_slice %gather3A_272 {offsets = [4], sizes = [1], strides = [1]} : vector<16xf32> to vector<1xf32>
      %squeeze3A_276 = vector.extract %slice3A_275[0] : f32 from vector<1xf32>
      %slice3A_277 = vector.extract_strided_slice %gather3A_272 {offsets = [5], sizes = [1], strides = [1]} : vector<16xf32> to vector<1xf32>
      %squeeze3A_278 = vector.extract %slice3A_277[0] : f32 from vector<1xf32>
      %slice3A_279 = vector.extract_strided_slice %gather3A_272 {offsets = [6], sizes = [1], strides = [1]} : vector<16xf32> to vector<1xf32>
      %squeeze3A_280 = vector.extract %slice3A_279[0] : f32 from vector<1xf32>
      %gt3A_281 = arith.constant -1.000000e+29 : f32
      %gt3A_282 = arith.cmpf ogt, %reduce_max3A_242, %gt3A_281 : f32
      %jit3A_283 = arith.constant 1.000000e+00 : f32
      %jit3A_284 = arith.constant 0.000000e+00 : f32
      %select_n3A_285 = arith.select %gt3A_282, %jit3A_283, %jit3A_284 : f32
      %lt3A_286 = arith.cmpi slt, %while3A_153, %convert_element_type3A_46 : i32
      %and3A_287 = arith.andi %gt3A_282, %lt3A_286 : i1
      %jit3A_288 = arith.constant 1.000000e+00 : f32
      %jit3A_289 = arith.constant 0.000000e+00 : f32
      %select_n3A_290 = arith.select %and3A_287, %jit3A_288, %jit3A_289 : f32
      %eq3A_291 = arith.constant 0 : i32
      %eq3A_292 = vector.broadcast %eq3A_291 : i32 to vector<16xi32>
      %eq3A_293 = arith.cmpi eq, %iota3A, %eq3A_292 : vector<16xi32>
      %jit3A_294 = arith.constant 0.000000e+00 : f32
      %broadcast_in_dim3A_295 = vector.broadcast %squeeze3A : f32 to vector<16xf32>
      %broadcast_in_dim3A_296 = vector.broadcast %jit3A_294 : f32 to vector<16xf32>
      %select_n3A_297 = arith.select %eq3A_293, %broadcast_in_dim3A_295, %broadcast_in_dim3A_296 : vector<16xi1>, vector<16xf32>
      %eq3A_298 = arith.constant 1 : i32
      %eq3A_299 = vector.broadcast %eq3A_298 : i32 to vector<16xi32>
      %eq3A_300 = arith.cmpi eq, %iota3A, %eq3A_299 : vector<16xi32>
      %broadcast_in_dim3A_301 = vector.broadcast %squeeze3A_274 : f32 to vector<16xf32>
      %select_n3A_302 = arith.select %eq3A_300, %broadcast_in_dim3A_301, %select_n3A_297 : vector<16xi1>, vector<16xf32>
      %eq3A_303 = arith.constant 2 : i32
      %eq3A_304 = vector.broadcast %eq3A_303 : i32 to vector<16xi32>
      %eq3A_305 = arith.cmpi eq, %iota3A, %eq3A_304 : vector<16xi32>
      %broadcast_in_dim3A_306 = vector.broadcast %squeeze3A_276 : f32 to vector<16xf32>
      %select_n3A_307 = arith.select %eq3A_305, %broadcast_in_dim3A_306, %select_n3A_302 : vector<16xi1>, vector<16xf32>
      %eq3A_308 = arith.constant 3 : i32
      %eq3A_309 = vector.broadcast %eq3A_308 : i32 to vector<16xi32>
      %eq3A_310 = arith.cmpi eq, %iota3A, %eq3A_309 : vector<16xi32>
      %broadcast_in_dim3A_311 = vector.broadcast %squeeze3A_278 : f32 to vector<16xf32>
      %select_n3A_312 = arith.select %eq3A_310, %broadcast_in_dim3A_311, %select_n3A_307 : vector<16xi1>, vector<16xf32>
      %mul3A_313 = vector.broadcast %select_n3A_290 : f32 to vector<16xf32>
      %mul3A_314 = arith.mulf %select_n3A_312, %mul3A_313 : vector<16xf32>
      %mul3A_315 = arith.constant 16 : i32
      %mul3A_316 = arith.muli %while3A_153, %mul3A_315 : i32
      %swap3A_317 = arith.index_cast %mul3A_316 : i32 to index
      %swap3A_318 = tpu.vector_load %arg9[%swap3A_317] {strides = array<i32>} : memref<1024xf32, #tpu.memory_space<vmem>>, vector<16xf32>,
      tpu.vector_store %arg9[%swap3A_317], %mul3A_314 {strides = array<i32>} : memref<1024xf32, #tpu.memory_space<vmem>>, vector<16xf32>,
      %convert_element_type3A_319 = arith.extui %gt3A_282 : i1 to i32
      %add3A_320 = arith.addi %while3A_160, %convert_element_type3A_319 : i32
      %add3A_321 = arith.constant 1 : i32
      %add3A_322 = arith.addi %while3A_153, %add3A_321 : i32
      %lt3A_323 = arith.cmpi slt, %add3A_322, %convert_element_type3A_46 : i32
      %and3A_324 = arith.andi %gt3A_282, %lt3A_323 : i1
      %gt3A_325 = arith.constant -1.000000e+29 : f32
      %gt3A_326 = arith.cmpf ogt, %reduce_max3A_238, %gt3A_325 : f32
      %add3A_327 = arith.constant 1 : i32
      %add3A_328 = arith.addi %while3A_153, %add3A_327 : i32
      %lt3A_329 = arith.cmpi slt, %add3A_328, %convert_element_type3A_61 : i32
      %and3A_330 = arith.andi %gt3A_326, %lt3A_329 : i1
      %or3A = arith.ori %and3A_324, %and3A_330 : i1
      %add3A_331 = arith.constant 1 : i32
      %add3A_332 = arith.addi %while3A_153, %add3A_331 : i32
      %lt3A_333 = arith.constant 49 : i32
      %lt3A_334 = arith.cmpi slt, %add3A_332, %lt3A_333 : i32
      %and3A_335 = arith.andi %or3A, %lt3A_334 : i1
      %add3A_336 = arith.constant 1 : i32
      %add3A_337 = arith.addi %while3A_153, %add3A_336 : i32
      scf.yield %and3A_335, %add3A_337, %squeeze3A, %squeeze3A_274, %squeeze3A_276, %squeeze3A_278, %squeeze3A_280, %select_n3A_285, %add3A_320 : i1, i32, f32, f32, f32, f32, f32, f32, i32
    }
    %min3A = arith.minsi %while3A_142#8, %convert_element_type3A_46 : i32
    %add3A_143 = arith.constant 800 : i32
    %add3A_144 = vector.broadcast %add3A_143 : i32 to vector<16xi32>
    %add3A_145 = arith.addi %add3A_144, %iota3A : vector<16xi32>
    %convert_element_type3A_146 = arith.sitofp %min3A : i32 to f32
    %broadcast_in_dim3A_147 = vector.broadcast %convert_element_type3A_146 : f32 to vector<16xf32>
    tpu.vector_store_idx %arg9[%add3A_145], %broadcast_in_dim3A_147 : memref<1024xf32, #tpu.memory_space<vmem>>[vector<16xi32>], vector<16xf32>,
    %eq3A_148 = arith.constant 0 : i32
    %eq3A_149 = arith.cmpi eq, %select_n3A_30, %eq3A_148 : i32
    %convert_element_type3A_150 = arith.extui %eq3A_149 : i1 to i32
    %cond3A = arith.constant 0 : i32
    %cond3A_151 = arith.cmpi ne, %convert_element_type3A_150, %cond3A : i32
    scf.if %cond3A_151 {
      "tpu.region"() ({
        %run_scoped3A = tpu.sem_alloc : memref<!tpu.dma_semaphore, #tpu.memory_space<semaphore_mem>>
        %dma_start3A = arith.constant 0 : i32
        %dma_start3A_152 = tpu.memref_slice %arg4[%add3A, %dma_start3A] : memref<4x1024xf32, #tpu.memory_space<hbm>> -> memref<1x1024xf32, #tpu.memory_space<hbm>>
        %dma_start3A_153 = tpu.memref_squeeze %dma_start3A_152 : memref<1x1024xf32, #tpu.memory_space<hbm>> -> memref<1024xf32, #tpu.memory_space<hbm>>
        %dma_start3A_154 = arith.constant 0 : i32
        %dma_start3A_155 = tpu.memref_slice %arg4[%add3A, %dma_start3A_154] : memref<4x1024xf32, #tpu.memory_space<hbm>> -> memref<1x1024xf32, #tpu.memory_space<hbm>>
        %dma_start3A_156 = tpu.memref_squeeze %dma_start3A_155 : memref<1x1024xf32, #tpu.memory_space<hbm>> -> memref<1024xf32, #tpu.memory_space<hbm>>
        tpu.enqueue_dma source(%arg9 : memref<1024xf32, #tpu.memory_space<vmem>>) target(%dma_start3A_156 : memref<1024xf32, #tpu.memory_space<hbm>>) target_semaphore(%run_scoped3A : memref<!tpu.dma_semaphore, #tpu.memory_space<semaphore_mem>>)
        %dma_wait3A = arith.constant 0 : i32
        %dma_wait3A_157 = tpu.memref_slice %arg4[%add3A, %dma_wait3A] : memref<4x1024xf32, #tpu.memory_space<hbm>> -> memref<1x1024xf32, #tpu.memory_space<hbm>>
        %dma_wait3A_158 = tpu.memref_squeeze %dma_wait3A_157 : memref<1x1024xf32, #tpu.memory_space<hbm>> -> memref<1024xf32, #tpu.memory_space<hbm>>
        %dma_wait3A_159 = arith.constant 0 : i32
        %dma_wait3A_160 = tpu.memref_slice %arg4[%add3A, %dma_wait3A_159] : memref<4x1024xf32, #tpu.memory_space<hbm>> -> memref<1x1024xf32, #tpu.memory_space<hbm>>
        %dma_wait3A_161 = tpu.memref_squeeze %dma_wait3A_160 : memref<1x1024xf32, #tpu.memory_space<hbm>> -> memref<1024xf32, #tpu.memory_space<hbm>>
        tpu.wait_dma2 semaphore(%run_scoped3A : memref<!tpu.dma_semaphore, #tpu.memory_space<semaphore_mem>>) src(%arg9 : memref<1024xf32, #tpu.memory_space<vmem>>) dst(%dma_wait3A_161 : memref<1024xf32, #tpu.memory_space<hbm>>)
        tpu.yield
      }) : () -> ()
    } else {
    }
    return
  }
}

module attributes {stable_mosaic.version = 14 : i64} {
  func.func @_split_body(%arg0: i32, %arg1: i32, %arg2: memref<1x1x512x512xf32, #tpu.memory_space<vmem>>, %arg3: memref<1x1x512x512xf32, #tpu.memory_space<vmem>>, %arg4: memref<1x1x512x512xf32, #tpu.memory_space<vmem>>, %arg5: memref<1x1x512x512xf32, #tpu.memory_space<vmem>>) attributes {dimension_semantics = [#tpu.dimension_semantics<arbitrary>, #tpu.dimension_semantics<arbitrary>], iteration_bounds = array<i64: 4, 3>, scalar_prefetch = 0 : i64, scratch_operands = 0 : i64, tpu.core_type = #tpu.core_type<tc>, window_params = [{transform_indices = @transform_0, window_bounds = array<i64: 1, 1, 512, 512>}, {transform_indices = @transform_1, window_bounds = array<i64: 1, 1, 512, 512>}, {transform_indices = @transform_2, window_bounds = array<i64: 1, 1, 512, 512>}, {transform_indices = @transform_3, window_bounds = array<i64: 1, 1, 512, 512>}]} {
    %get3A = arith.constant 0 : index
    %get3A_0 = arith.constant 0 : index
    %get3A_1 = arith.constant 0 : index
    %get3A_2 = arith.constant 0 : index
    %get3A_3 = vector.load %arg2[%get3A, %get3A_0, %get3A_1, %get3A_2] : memref<1x1x512x512xf32, #tpu.memory_space<vmem>>, vector<1x1x512x512xf32>
    %swap3A = arith.constant 0 : index
    %swap3A_4 = arith.constant 0 : index
    %swap3A_5 = arith.constant 0 : index
    %swap3A_6 = arith.constant 0 : index
    %swap3A_7 = vector.load %arg4[%swap3A, %swap3A_4, %swap3A_5, %swap3A_6] : memref<1x1x512x512xf32, #tpu.memory_space<vmem>>, vector<1x1x512x512xf32>
    tpu.vector_store %arg4[%swap3A, %swap3A_4, %swap3A_5, %swap3A_6], %get3A_3 {strides = array<i32>} : memref<1x1x512x512xf32, #tpu.memory_space<vmem>>, vector<1x1x512x512xf32>,
    %get3A_8 = arith.constant 0 : index
    %get3A_9 = arith.constant 0 : index
    %get3A_10 = arith.constant 0 : index
    %get3A_11 = arith.constant 0 : index
    %get3A_12 = vector.load %arg3[%get3A_8, %get3A_9, %get3A_10, %get3A_11] : memref<1x1x512x512xf32, #tpu.memory_space<vmem>>, vector<1x1x512x512xf32>
    %swap3A_13 = arith.constant 0 : index
    %swap3A_14 = arith.constant 0 : index
    %swap3A_15 = arith.constant 0 : index
    %swap3A_16 = arith.constant 0 : index
    %swap3A_17 = vector.load %arg5[%swap3A_13, %swap3A_14, %swap3A_15, %swap3A_16] : memref<1x1x512x512xf32, #tpu.memory_space<vmem>>, vector<1x1x512x512xf32>
    tpu.vector_store %arg5[%swap3A_13, %swap3A_14, %swap3A_15, %swap3A_16], %get3A_12 {strides = array<i32>} : memref<1x1x512x512xf32, #tpu.memory_space<vmem>>, vector<1x1x512x512xf32>,
    return
  }
  func.func @transform_0(%arg0: i32, %arg1: i32) -> (i32, i32, i32, i32) {
    %c0_i32 = arith.constant 0 : i32
    %c0_i32_0 = arith.constant 0 : i32
    %c0_i32_1 = arith.constant 0 : i32
    return %arg0, %arg1, %c0_i32, %c0_i32_0 : i32, i32, i32, i32
  }
  func.func @transform_1(%arg0: i32, %arg1: i32) -> (i32, i32, i32, i32) {
    %add3A = arith.constant 3 : i32
    %add3A_0 = arith.addi %arg1, %add3A : i32
    %c0_i32 = arith.constant 0 : i32
    %c0_i32_1 = arith.constant 0 : i32
    %c0_i32_2 = arith.constant 0 : i32
    return %arg0, %add3A_0, %c0_i32, %c0_i32_1 : i32, i32, i32, i32
  }
  func.func @transform_2(%arg0: i32, %arg1: i32) -> (i32, i32, i32, i32) {
    %c0_i32 = arith.constant 0 : i32
    %c0_i32_0 = arith.constant 0 : i32
    %c0_i32_1 = arith.constant 0 : i32
    return %arg0, %arg1, %c0_i32, %c0_i32_0 : i32, i32, i32, i32
  }
  func.func @transform_3(%arg0: i32, %arg1: i32) -> (i32, i32, i32, i32) {
    %c0_i32 = arith.constant 0 : i32
    %c0_i32_0 = arith.constant 0 : i32
    %c0_i32_1 = arith.constant 0 : i32
    return %arg0, %arg1, %c0_i32, %c0_i32_0 : i32, i32, i32, i32
  }
}

</mosaic_0001>

<sc_bundles>
// kernel: kernel.4.cloned.1.call-start
scs
__scs_entry_jumppad:
0x0: {  	(pc) =	sbr.rel $0x88, $3  }
0x1: {  	(tag) =	ssettag $0x0;
	lr =	simm.s32 $0x1  }
0x2: {  	[smem:$0x3F9D] =	sst lr;
	_ =	strace $0xD0000000  }
0x3: {  	_ = 	snop  }
0x4: {  	_ = 	snop  }
0x5: {  	_ = 	snop  }
0x6: {  	_ = 	snop  }
0x7: {  	_ = 	snop  }
__scs_overlays_trampoline_lowered:
0x8: {  	[smem:$0x3FAC] =	sst s0  }
0x9: {  	[smem:$0x3FAD] =	sst s1  }
0xa: {  	[smem:$0x3FAE] =	sst s2  }
0xb: {  	[smem:$0x3FAF] =	sst s3  }
0xc: {  	[smem:$0x3FB0] =	sst s4  }
0xd: {  	[smem:$0x3FB1] =	sst s5  }
0xe: {  	[smem:$0x3FB2] =	sst s6  }
0xf: {  	[smem:$0x3FB3] =	sst s7  }
0x10: {  	[smem:$0x3FB4] =	sst s8  }
0x11: {  	[smem:$0x3FB5] =	sst s9;
	s0 =	simm.s32 @!p0 $0x0  }
0x12: {  	s1 =	sld [smem:$0x3F9B];
	s0 =	simm.s32 @p0 $0x1  }
0x13: {  	[smem:$0x3FB6] =	sst s0;
	s0 =	simm.s32 @!p1 $0x0  }
0x14: {  	s2 =	sld [smem:$0x3F9A];
	s0 =	simm.s32 @p1 $0x1  }
0x15: {  	[smem:$0x3FB7] =	sst s0;
	s0 =	simm.s32 @!p2 $0x0  }
0x16: {  	s3 =	sld [smem:$0x3FDB];
	s0 =	simm.s32 @p2 $0x1  }
0x17: {  	s4 =	simm.s32 $0x1BF5;
	[smem:$0x3FB9] =	sst s0  }
0x18: {  	s0 =	sld [smem:$0x3F9C];
	_ =	swait.ge [sflag:s4], $0x0  }
0x19: {  	s7 =	sld [smem:$0x3F9D]  }
0x1a: {  	s8 =	sadd.s32 $0xFFFFE003, lr  }
0x1b: {  	s9 =	sadd.s32 $0xFFFFFEF7, lr;
	s5 =	simm.s32 $0xFFFFFFFF;
	p2 =	slt.u32 s8, $0xFFFFF086  }
0x1c: {  	p1 =	slt.u32 s9, $0xF7A;
	s5 =	simm.s32 @!p2 $0x0  }
0x1d: {  	s5 =	simm.s32 @p1 $0x1;
	p0 =	seq.s32 s7, s2  }
0x1e: {  	s7 =	smul.u32 @!p0 $0xF7A, s2;
	p2 =	seq.s32 @!p0 s5, $0x0  }
0x1f: {  	s9 =	smul.u32 $0xF7A, s1;
	s8 =	simm.s32 @!p0 $0x1BF5;
	p2 =	por !p2, p0  }
0x20: {  	[sflag:s8] =	ssyncset.s32 @!p0 $0xFFFFF086;
	s6 =	sadd.s32 @!p0 s3, s7;
	s7 =	simm.s32 @!p0 $0x108  }
0x21: {  	s3 =	sadd.s32 s3, s9;
	s6 =	sadd.s32 @!p0 $0x88, s6;
	s7 =	simm.s32 @p2 $0x1082  }
0x22: {  	[simem:s7], [sflag:s8] =	dma.local @!p0 [hbm:s6], $0xF7A  }
0x23: {  	s9 =	sor.u32 $0xD0000000, s2;
	s6 =	simm.s32 $0x108;
	_ =	swait.ge @!p0 [sflag:s8], $0x0  }
0x24: {  	s3 =	sadd.s32 $0x88, s3;
	s6 =	simm.s32 @!p1 $0x1082;
	[sflag:s4] =	ssyncset.s32 $0xFFFFF086  }
0x25: {  	[simem:s6], [sflag:s4] =	dma.local [hbm:s3], $0xF7A  }
0x26: {  	[smem:$0x3F9D] =	sst s1;
	(tag) =	ssettag s2;
	_ =	strace s9  }
0x27: {  	s1 =	sld [smem:$0x3FAD]  }
0x28: {  	s2 =	sld [smem:$0x3FAE]  }
0x29: {  	s4 =	sld [smem:$0x3FB0]  }
0x2a: {  	p0 =	seq.s32 s5, $0x0;
	s5 =	sld [smem:$0x3FB1]  }
0x2b: {  	s6 =	sld [smem:$0x3FB2]  }
0x2c: {  	s7 =	sld [smem:$0x3FB3]  }
0x2d: {  	s3 =	simm.s32 $0x108;
	s8 =	sld [smem:$0x3FB4]  }
0x2e: {  	s3 =	simm.s32 @!p0 $0x1082;
	s9 =	sld [smem:$0x3FB5]  }
0x2f: {  	lr =	sadd.s32 s0, s3;
	s0 =	sld [smem:$0x3FAC]  }
0x30: {  	s3 =	sld [smem:$0x3FAF]  }
0x31: {  	[smem:$0x3FB8] =	sst s10  }
0x32: {  	s10 =	sld [smem:$0x3FB6];
	_ =	sdelay $0x3  }
0x33: {  	p0 =	seq.s32 s10, $0x1;
	s10 =	sld [smem:$0x3FB8];
	_ =	sdelay $0x3  }
0x34: {  	[smem:$0x3FB8] =	sst s10  }
0x35: {  	s10 =	sld [smem:$0x3FB7];
	_ =	sdelay $0x3  }
0x36: {  	p1 =	seq.s32 s10, $0x1;
	s10 =	sld [smem:$0x3FB8];
	_ =	sdelay $0x3  }
0x37: {  	[smem:$0x3FB8] =	sst s10  }
0x38: {  	s10 =	sld [smem:$0x3FB9]  }
0x39: {  	_ = 	snop;
	(pc) =	sbr.ind lr, $3  }
0x3a: {  	_ = 	snop  }
0x3b: {  	_ = 	snop  }
0x3c: {  	p2 =	seq.s32 s10, $0x1;
	s10 =	sld [smem:$0x3FB8]  }
0x3d: {  	_ =	shalt  }
0x3e: {  	_ =	shalt  }
0x3f: {  	_ =	shalt  }
0x40: {  	_ =	shalt  }
0x41: {  	_ =	shalt  }
0x42: {  	_ =	shalt  }
0x43: {  	_ =	shalt  }
0x44: {  	_ =	shalt  }
0x45: {  	_ =	shalt  }
0x46: {  	_ =	shalt  }
0x47: {  	_ =	shalt  }
0x48: {  	_ =	shalt  }
0x49: {  	_ =	shalt  }
0x4a: {  	_ =	shalt  }
0x4b: {  	_ =	shalt  }
0x4c: {  	_ =	shalt  }
0x4d: {  	_ =	shalt  }
0x4e: {  	_ =	shalt  }
0x4f: {  	_ =	shalt  }
0x50: {  	_ =	shalt  }
0x51: {  	_ =	shalt  }
0x52: {  	_ =	shalt  }
0x53: {  	_ =	shalt  }
0x54: {  	_ =	shalt  }
0x55: {  	_ =	shalt  }
0x56: {  	_ =	shalt  }
0x57: {  	_ =	shalt  }
0x58: {  	_ =	shalt  }
0x59: {  	_ =	shalt  }
0x5a: {  	_ =	shalt  }
0x5b: {  	_ =	shalt  }
0x5c: {  	_ =	shalt  }
0x5d: {  	_ =	shalt  }
0x5e: {  	_ =	shalt  }
0x5f: {  	_ =	shalt  }
0x60: {  	_ =	shalt  }
0x61: {  	_ =	shalt  }
0x62: {  	_ =	shalt  }
0x63: {  	_ =	shalt  }
0x64: {  	_ =	shalt  }
0x65: {  	_ =	shalt  }
0x66: {  	_ =	shalt  }
0x67: {  	_ =	shalt  }
0x68: {  	_ =	shalt  }
0x69: {  	_ =	shalt  }
0x6a: {  	_ =	shalt  }
0x6b: {  	_ =	shalt  }
0x6c: {  	_ =	shalt  }
0x6d: {  	_ =	shalt  }
0x6e: {  	_ =	shalt  }
0x6f: {  	_ =	shalt  }
0x70: {  	_ =	shalt  }
0x71: {  	_ =	shalt  }
0x72: {  	_ =	shalt  }
0x73: {  	_ =	shalt  }
0x74: {  	_ =	shalt  }
0x75: {  	_ =	shalt  }
0x76: {  	_ =	shalt  }
0x77: {  	_ =	shalt  }
0x78: {  	_ =	shalt  }
0x79: {  	_ =	shalt  }
0x7a: {  	_ =	shalt  }
0x7b: {  	_ =	shalt  }
0x7c: {  	_ =	shalt  }
0x7d: {  	_ =	shalt  }
0x7e: {  	_ =	shalt  }
0x7f: {  	_ =	shalt  }
0x80: {  	_ =	shalt  }
0x81: {  	_ =	shalt  }
0x82: {  	_ =	shalt  }
0x83: {  	_ =	shalt  }
0x84: {  	_ =	shalt  }
0x85: {  	_ =	shalt  }
0x86: {  	_ =	shalt  }
0x87: {  	_ =	shalt  }
.Lfunc_end0:
.L_simem_size_0:
called_computation_lowered:
.L_overlay_start_0:
0x88: {  	s2 =	sld [smem:$0x3FD9]  }
0x89: {  	s3 =	sld [smem:$0x3FFE];
	_ =	sdelay $0x1  }
0x8a: {  	s1 =	srdreg.scid  }
0x8b: {  	s0 =	sand.u32 $0x1, s1  }
0x8c: {  	s14 =	sshll.u32 s0, $0xA;
	s2 =	sadd.s32 s3, s2  }
0x8d: {  	s2 =	sadd.s32 s2, s14  }
0x8e: {  	[smem:$0x3FC4] =	sst s2  }
0x8f: {  	_ = 	snop  }
0x90: {  	s2 =	sld [smem:$0x3FD0];
	_ =	sdelay $0x2  }
0x91: {  	s15 =	simm.s32 $0xA;
	s4 =	simm.s32 $0x10  }
0x92: {  	[smem:s4], [sflag:s15] =	dma.local [hbm:s2], $0x1  }
0x93: {  	_ =	swait.eq [sflag:s15], $0x1  }
0x94: {  	[sflag:s15] =	ssyncset.done $0x0  }
0x95: {  	[sflag:s15] =	ssyncadd.s32 $0xFFFFFFFF  }
0x96: {  	s16 =	sld [smem:$0x14];
	(tm) =	ssettm $0x1  }
0x97: {  	s17 =	sld [smem:$0x3FFB];
	_ =	sdelay $0x3  }
0x98: {  	_ =	strace s17  }
0x99: {  	s3 =	sld [smem:$0x3FFC];
	_ =	sdelay $0x3  }
0x9a: {  	_ =	strace s3  }
0x9b: {  	s3 =	sld [smem:$0x3FFD];
	_ =	sdelay $0x3  }
0x9c: {  	_ =	strace s3  }
0x9d: {  	_ =	strace $0x8FFFFFFF  }
0x9e: {  	s18 =	sld [smem:$0x3FDB];
	_ =	sdelay $0x1  }
0x9f: {  	s19 =	simm.s32 $_scs_section_size  }
0xa0: {  	s5 =	simm.s32 $_size__tile_overlayer_lowered;
	s6 =	simm.s32 $_tile_overlayer_lowered  }
0xa1: {  	s22 =	simm.s32 $0x1BFF;
	s21 =	sshll.u32 s6, $0x1;
	s3 =	sadd.s32 s19, s18  }
0xa2: {  	s7 =	simm.s32 $0x0;
	s20 =	sshll.u32 s5, $0x1;
	s5 =	sadd.s32 s21, s3  }
0xa3: {  	[timem:s7], [sflag:s22] =	dma.local [hbm:s5], s20  }
0xa4: {  	_ =	swait.ge [sflag:s22], s20  }
0xa5: {  	s4 =	ssub.s32 $0x0, s20;
	[sflag:s22] =	ssyncset.done $0x0  }
0xa6: {  	[sflag:s22] =	ssyncadd.s32 s4;
	_ =	sdelay $0x1  }
0xa7: {  	s23 =	simm.s32 $0x1B8B  }
0xa8: {  	_ =	swait.ge [sflag:s23], $0x1  }
0xa9: {  	[sflag:s23] =	ssyncset.done $0x0  }
0xaa: {  	s25 =	simm.s32 $0x1B8E;
	s24 =	sld [smem:$0x3FFE];
	[sflag:s23] =	ssyncadd.s32 $0xFFFFFFFF  }
0xab: {  	s26 =	simm.s32 $execute0_lowered;
	[smem:$0x3FD2] =	sst s25  }
0xac: {  	s5 =	sshll.u32 s26, $0x1;
	_ =	strace $0x80000046;
	[dreg:$0x1] =	wrdreg $0xFFFFFFFF  }
0xad: {  	s28 =	simm.s32 $_size_execute0_lowered;
	s3 =	sadd.s32 s3, s5;
	[dreg:$0x0] =	wrdreg $0x0  }
0xae: {  	s5 =	sshll.u32 s28, $0x1;
	[dreg:$0x2] =	wrdreg s3  }
0xaf: {  	[dreg:$0x3] =	wrdreg s5  }
0xb0: {  	[dreg:$0x4] =	wrdreg $0xC0  }
0xb1: {  	_ =	task [dreg:s7], $0x5FFFF  }
0xb2: {  	[dreg:$0x1] =	wrdreg $0xFFFFFFFF  }
0xb3: {  	[dreg:$0x0] =	wrdreg $0x60  }
0xb4: {  	[dreg:$0x2] =	wrdreg s24  }
0xb5: {  	[dreg:$0x3] =	wrdreg s16  }
0xb6: {  	[dreg:$0x4] =	wrdreg $0x21800  }
0xb7: {  	[dreg:$0x5] =	wrdreg $0x9  }
0xb8: {  	_ =	task.clear_ibuf [dreg:s7], $0x6FFFF;
	_ =	strace $0x90000046  }
0xb9: {  	s29 =	simm.s32 $0x9;
	_ =	strace $0x80000048  }
0xba: {  	_ =	swait.ge [sflag:s29], $0x1  }
0xbb: {  	[sflag:s29] =	ssyncadd.s32 $0xFFFFFFFF  }
0xbc: {  	_ =	strace $0x90000048  }
0xbd: {  	_ =	sfence  }
0xbe: {  	s30 =	sld [smem:$0x0];
	_ =	sdelay $0x2  }
0xbf: {  	s31 =	sshll.u32 s1, $0xD;
	s1 =	sshrl.u32 s1, $0x2  }
0xc0: {  	s3 =	sand.u32 $0x4000, s31;
	s1 =	sadd.s32 s1, s30  }
0xc1: {  	s0 =	sor.u32 s3, s0;
	s1 =	sshll.u32 s1, $0x11  }
0xc2: {  	s0 =	sor.u32 s1, s0  }
0xc3: {  	s0 =	sadd.s32 $0x8F2B, s0  }
0xc4: {  	[sflag:s0] =	ssyncadd.remote.s32 $0x1  }
0xc5: {  	_ =	sfence.sel $0xFFFF  }
0xc6: {  	[dreg:$0x0] =	wrdreg $0xFFFFFFFF;
	(pc) =	sbr.abs _section_cstart, $3  }
0xc7: {  	[dreg:$0x1] =	wrdreg $0xFFFFFFFF  }
0xc8: {  	_ =	task.clear_ibuf [dreg:s7], $0x2FFFF;
	_ =	strace $0x9FFFFFFF  }
0xc9: {  	(tm) =	ssettm $0x7FFFFFFF  }
tec
execute0_lowered:
.L_overlay_start_1:
0x0: {  	(tag) =	ssettag $0x1  }
0x1: {  	v0 =	vlaneseq.u32;
	v3 =	vimm.f32 $1.500000000e+01  }
0x2: {  	s0 =	stileid.u32;
	vm0 =	vcmask $0x300;
	vm7 =	vcmask $0xF0C;
	vm5 =	vcmask $0x1310  }
0x3: {  	s1 =	srdreg.scid;
	vm4 =	vcmask $0x1714;
	vm6 =	vcmask $0x1B18;
	s30 =	sand.u32 $0x8, s0;
	v4 =	vadd.s32 $0x1, v0  }
0x4: {  	s5 =	sand.u32 $0x1, s1;
	v3 =	vsel vm0, $0x0, v3;
	vm0 =	vcmask $0x704;
	v2 =	vmov s30  }
0x5: {  	s29 =	sshrl.u32 s0, $0x3;
	s2 =	sshll.u32 s5, $0x1;
	vm1 =	vlt.u32 v2, v4;
	v2 =	vsel vm0, $0x3F800000, v3;
	vm0 =	vcmask $0xB08  }
0x6: {  	vm3 =	vcmask $0x1F1C;
	vm8 =	vcmask $0x2724;
	s1 =	sadd.s32 $0x8, s30;
	s6 =	sor.u32 s29, s2;
	v2 =	vsel vm0, $0x40000000, v2  }
0x7: {  	s7 =	rddreg [dreg:$0x0];
	v4 =	vmov s1;
	v1 =	vmov s6;
	s2 =	sxor.u32 $0x1, s6;
	v2 =	vsel vm7, $0x40400000, v2  }
0x8: {  	s3 =	rddreg [dreg:$0x2];
	s4 =	simm.s32 $0x0;
	s10 =	simm.s32 $0x400;
	vm0 =	vgt.u32 v4, v0;
	v3 =	vmov s2;
	v2 =	vsel vm5, $0x40800000, v2  }
0x9: {  	s11 =	simm.s32 $0x1;
	s12 =	simm.s32 $0x2100;
	s13 =	simm.s32 $0xC80;
	vm0 =	vmand vm1, vm0;
	vm2 =	veq.s32 v1, v0;
	v2 =	vsel vm4, $0x40A00000, v2  }
0xa: {  	s15 =	simm.s32 $0x1B80;
	s16 =	simm.s32 $0x1C00;
	s18 =	simm.s32 $0x0;
	v1 =	vimm.f32 $0.0e+00;
	vm1 =	veq.s32 v3, v0;
	v2 =	vsel vm6, $0x40C00000, v2  }
0xb: {  	s17 =	sand.u32 $0x7, s0;
	[smem:$0x7FF] =	sst s4;
	s14 =	sshll.u32 s0, $0x6;
	v3 =	vimm.s32 $0x0;
	v2 =	vsel vm3, $0x40E00000, v2;
	vm3 =	vcmask $0x2320  }
0xc: {  	s9 =	sshll.u32 s17, $0x7;
	s5 =	ssub.s32 $0x2, s5;
	s8 =	smul.u32 $0x6400, s6;
	v3 =	vsel vm7, $0x280, v3;
	vm7 =	vcmask $0x3330;
	v2 =	vsel vm3, $0x41000000, v2  }
0xd: {  	s14 =	sshrl.u32 s14, $0x2;
	p0 =	sne.s32 s17, $0x0;
	s1 =	rddreg [dreg:$0x1];
	v3 =	vsel vm5, $0x500, v3;
	v2 =	vsel vm8, $0x41100000, v2;
	vm8 =	vcmask $0x2B28  }
0xe: {  	s31 =	sshrl.u32 s5, $0x1;
	s6 =	sshll.u32 s6, $0x4;
	s8 =	sor.u32 s9, s8;
	vm5 =	vcmask $0x3734;
	v2 =	vsel vm8, $0x41200000, v2;
	vm8 =	vcmask $0x2F2C  }
0xf: {  	s2 =	rddreg [dreg:$0x3];
	_ =	strace $0x80000047;
	s8 =	sshrl.u32 s8, $0x3;
	v3 =	vsel vm4, $0x780, v3;
	vm4 =	vmmov $0x1;
	v2 =	vsel vm8, $0x41300000, v2  }
0x10: {  	s9 =	ssub.s32 s5, s31;
	s8 =	sadd.s32 s8, s7;
	s7 =	sadd.s32 s6, s7;
	vm3 =	vmxor vm3, vm3;
	v2 =	vsel vm7, $0x41400000, v2;
	vm7 =	vcmask $0xB10  }
0x11: {  	s6 =	smul.u32 $0x280, s17;
	s17 =	simm.s32 $0x1D00;
	s5 =	sadd.s32 $0x400, s8;
	v4 =	vsel vm5, $0x41500000, v2;
	vm5 =	vcmask $0x3B38;
	v2 =	vsel vm6, $0xA00, v3  }
0x12: {  	s7 =	sadd.s32 $0x3600, s7;
	s8 =	smax.u32 s9, $0x1;
	s9 =	simm.s32 $0x80;
	vm6 =	vcmask $0x710;
	v3 =	vsel vm5, $0x41600000, v4;
	vm5 =	vcmask $0x310  }
.LBB2_1:
0x13: {  	[tilespmem:s4], [sflag:$0x1] =	stream.strided.gather [hbm4b:s5+s9], $0xC80, s10, s9, $0x38;
	[tilespmem:$0x21A0] =	vst v63  }
0x14: {  	_ =	swait.ge [sflag:s11], $0xC80  }
0x15: {  	[sflag:s11] =	ssyncset.done $0x0  }
0x16: {  	[sflag:s11] =	ssyncadd.s32 $0xFFFFF380  }
0x17: {  	[tilespmem:s12], [sflag:$0x1] =	stream.linear.gather [hbm4b:s1+s4], $0x80, $0x38;
	[tilespmem:$0x21A0] =	vst v63  }
0x18: {  	_ =	swait.ge [sflag:s11], $0x80  }
0x19: {  	[sflag:s11] =	ssyncset.done $0x0  }
0x1a: {  	s19 =	simm.s32 $0x520;
	[sflag:s11] =	ssyncadd.s32 $0xFFFFFF80  }
0x1b: {  	s21 =	sand.u32 $0x3C0, s4;
	v4 =	vld [tilespmem:s19+$0xFFFFFAE0]  }
0x1c: {  	v5 =	vld [tilespmem:s21+$0x780]  }
0x1d: {  	v6 =	vld [tilespmem:s21+$0x280]  }
0x1e: {  	v7 =	vld [tilespmem:s21+$0x500];
	_ =	sdelay $0x4  }
0x1f: {  	v8 =	vmin.f32 v6, v5;
	v9 =	vmin.f32 v4, v7;
	v5 =	vmax.f32 v6, v5  }
0x20: {  	v4 =	vmax.f32 v4, v7;
	v6 =	vmul.f32 $5.120000000e+02, v8;
	v5 =	vmul.f32 $5.120000000e+02, v5  }
0x21: {  	v7 =	vmul.f32 $5.120000000e+02, v9;
	v53 =	vmul.f32 $5.120000000e+02, v4  }
0x22: {  	s20 =	simm.s32 $0x1410;
	v11 =	vld [tilespmem:s21+$0xA00]  }
0x23: {  	v4 =	vld [tilespmem:$0x2100];
	v54 =	vsub.f32 v5, v6;
	v10 =	vsub.f32 v53, v7;
	[tilespmem:s20+$0xFFFFF870] =	vst v7  }
0x24: {  	[tilespmem:s21+$0x1400] =	vst v5  }
0x25: {  	[tilespmem:s21+$0x1180] =	vst v53;
	v12 =	vmul.f32 v54, v10;
	vm8 =	vgt.f32 v54, $5.120000080e+01;
	vm9 =	vgt.f32 v10, $5.120000080e+01  }
0x26: {  	[tilespmem:s21+$0xF00] =	vst v6;
	vm8 =	vmand vm9, vm8  }
0x27: {  	[tilespmem:s21+$0x1680] =	vst v12;
	v5 =	vnsel vm8, $0xF149F2CA, v11  }
0x28: {  	[tilespmem:s21+$0x1900] =	vst v5  }
0x29: {  	v5 =	vld [tilespmem:s19+$0xFFFFFFF0]  }
0x2a: {  	v6 =	vld [tilespmem:s19+$0xFFFFFAF0]  }
0x2b: {  	v7 =	vld [tilespmem:s19+$0x270]  }
0x2c: {  	v8 =	vld [tilespmem:s19+$0xFFFFFD70];
	_ =	sdelay $0x4  }
0x2d: {  	v55 =	vmin.f32 v6, v5;
	v5 =	vmax.f32 v6, v5;
	v56 =	vmin.f32 v8, v7  }
0x2e: {  	v7 =	vmax.f32 v8, v7;
	v6 =	vmul.f32 $5.120000000e+02, v55;
	v5 =	vmul.f32 $5.120000000e+02, v5  }
0x2f: {  	v57 =	vmul.f32 $5.120000000e+02, v56;
	v7 =	vmul.f32 $5.120000000e+02, v7  }
0x30: {  	v58 =	vld [tilespmem:s19+$0x4F0]  }
0x31: {  	v59 =	vsub.f32 v5, v6;
	[tilespmem:s20+$0xFFFFF880] =	vst v6;
	v6 =	vsub.f32 v7, v57  }
0x32: {  	[tilespmem:s20+$0xFFFFFB00] =	vst v57  }
0x33: {  	[tilespmem:s20+$0x0] =	vst v7;
	vm8 =	vgt.f32 v59, $5.120000080e+01;
	vm14 =	vgt.f32 v6, $5.120000080e+01;
	v6 =	vmul.f32 v6, v59  }
0x34: {  	[tilespmem:s20+$0xFFFFFD80] =	vst v5;
	vm8 =	vmand vm8, vm14  }
0x35: {  	[tilespmem:s20+$0x280] =	vst v6;
	v5 =	vnsel vm8, $0xF149F2CA, v58  }
0x36: {  	[tilespmem:s20+$0x500] =	vst v5  }
0x37: {  	v5 =	vld [tilespmem:s19+$0x280]  }
0x38: {  	v6 =	vld [tilespmem:s19+$0xFFFFFB00]  }
0x39: {  	v7 =	vld [tilespmem:s19+$0xFFFFFD80]  }
0x3a: {  	v8 =	vld [tilespmem:s19+$0x0];
	_ =	sdelay $0x4  }
0x3b: {  	v60 =	vmin.f32 v7, v5;
	v61 =	vmin.f32 v6, v8;
	v6 =	vmax.f32 v6, v8  }
0x3c: {  	v5 =	vmax.f32 v7, v5;
	v7 =	vmul.f32 $5.120000000e+02, v61;
	v6 =	vmul.f32 $5.120000000e+02, v6  }
0x3d: {  	v62 =	vmul.f32 $5.120000000e+02, v60;
	v5 =	vmul.f32 $5.120000000e+02, v5  }
0x3e: {  	v63 =	vld [tilespmem:s19+$0x500]  }
0x3f: {  	v10 =	vsub.f32 v6, v7;
	[tilespmem:s20+$0xFFFFF890] =	vst v7;
	v7 =	vsub.f32 v5, v62  }
0x40: {  	[tilespmem:s20+$0xFFFFFB10] =	vst v62  }
0x41: {  	[tilespmem:s20+$0x10] =	vst v5;
	vm8 =	vgt.f32 v7, $5.120000080e+01;
	vm15 =	vgt.f32 v10, $5.120000080e+01;
	v5 =	vmul.f32 v7, v10  }
0x42: {  	s22 =	simm.s32 $0x560;
	[tilespmem:s20+$0xFFFFFD90] =	vst v6;
	vm8 =	vmand vm15, vm8  }
0x43: {  	s23 =	simm.s32 $0x0;
	s24 =	simm.s32 $0x1410;
	s21 =	simm.s32 $0x0;
	[tilespmem:s20+$0x290] =	vst v5;
	v5 =	vnsel vm8, $0xF149F2CA, v63  }
.LBB2_2:
0x44: {  	s21 =	sadd.s32 $0x4, s21;
	[tilespmem:s20+$0x510] =	vst v5;
	s23 =	sadd.s32 $0x40, s23;
	s24 =	sadd.s32 $0x40, s24  }
0x45: {  	p1 =	slt.u32 s21, $0x24;
	v5 =	vld [tilespmem:s19+$0x290]  }
0x46: {  	v6 =	vld [tilespmem:s19+$0x10]  }
0x47: {  	v7 =	vld [tilespmem:s19+$0xFFFFFD90]  }
0x48: {  	v8 =	vld [tilespmem:s19+$0xFFFFFB10]  }
0x49: {  	v9 =	vld [tilespmem:s19+$0x510];
	s19 =	smov.u32 s22;
	_ =	sdelay $0x2  }
0x4a: {  	v10 =	vmin.f32 v7, v5  }
0x4b: {  	v5 =	vmax.f32 v7, v5;
	v11 =	vmin.f32 v8, v6;
	v10 =	vmul.f32 $5.120000000e+02, v10  }
0x4c: {  	v6 =	vmax.f32 v8, v6;
	v5 =	vmul.f32 $5.120000000e+02, v5;
	v7 =	vmul.f32 $5.120000000e+02, v11  }
0x4d: {  	v6 =	vmul.f32 $5.120000000e+02, v6;
	[tilespmem:s20+$0xFFFFFB20] =	vst v10  }
0x4e: {  	v8 =	vsub.f32 v5, v10;
	[tilespmem:s20+$0xFFFFF8A0] =	vst v7  }
0x4f: {  	v7 =	vsub.f32 v6, v7;
	[tilespmem:s20+$0xFFFFFDA0] =	vst v6  }
0x50: {  	vm8 =	vgt.f32 v8, $5.120000080e+01;
	[tilespmem:s20+$0x20] =	vst v5  }
0x51: {  	vm9 =	vgt.f32 v7, $5.120000080e+01;
	v5 =	vmul.f32 v8, v7  }
0x52: {  	vm8 =	vmand vm9, vm8  }
0x53: {  	[tilespmem:s20+$0x2A0] =	vst v5;
	v5 =	vnsel vm8, $0xF149F2CA, v9  }
0x54: {  	[tilespmem:s20+$0x520] =	vst v5;
	s20 =	smov.u32 s24  }
0x55: {  	s25 =	sand.u32 $0x3C0, s23;
	v5 =	vld [tilespmem:s22+$0xFFFFFAE0]  }
0x56: {  	v6 =	vld [tilespmem:s25+$0x780]  }
0x57: {  	v7 =	vld [tilespmem:s25+$0x280]  }
0x58: {  	v8 =	vld [tilespmem:s25+$0x500];
	_ =	sdelay $0x3  }
0x59: {  	v9 =	vmin.f32 v7, v6  }
0x5a: {  	v6 =	vmax.f32 v7, v6;
	v10 =	vmin.f32 v5, v8;
	v5 =	vmax.f32 v5, v8  }
0x5b: {  	v7 =	vmul.f32 $5.120000000e+02, v9;
	v6 =	vmul.f32 $5.120000000e+02, v6  }
0x5c: {  	v8 =	vmul.f32 $5.120000000e+02, v10;
	v5 =	vmul.f32 $5.120000000e+02, v5  }
0x5d: {  	v10 =	vsub.f32 v6, v7;
	v9 =	vld [tilespmem:s25+$0xA00]  }
0x5e: {  	v11 =	vsub.f32 v5, v8  }
0x5f: {  	vm8 =	vgt.f32 v10, $5.120000080e+01  }
0x60: {  	vm9 =	vgt.f32 v11, $5.120000080e+01;
	v10 =	vmul.f32 v10, v11  }
0x61: {  	vm8 =	vmand vm9, vm8;
	[tilespmem:s24+$0xFFFFF870] =	vst v8  }
0x62: {  	[tilespmem:s25+$0x1680] =	vst v10;
	v8 =	vnsel vm8, $0xF149F2CA, v9  }
0x63: {  	[tilespmem:s25+$0x1400] =	vst v6  }
0x64: {  	[tilespmem:s25+$0x1180] =	vst v5  }
0x65: {  	[tilespmem:s25+$0x1900] =	vst v8  }
0x66: {  	[tilespmem:s25+$0xF00] =	vst v7  }
0x67: {  	v5 =	vld [tilespmem:s22+$0xFFFFFFF0]  }
0x68: {  	v6 =	vld [tilespmem:s22+$0x270]  }
0x69: {  	v7 =	vld [tilespmem:s22+$0xFFFFFAF0]  }
0x6a: {  	v8 =	vld [tilespmem:s22+$0xFFFFFD70];
	_ =	sdelay $0x3  }
0x6b: {  	v9 =	vmin.f32 v7, v5;
	v5 =	vmax.f32 v7, v5  }
0x6c: {  	v7 =	vmul.f32 $5.120000000e+02, v9;
	v5 =	vmul.f32 $5.120000000e+02, v5;
	v9 =	vmin.f32 v8, v6  }
0x6d: {  	v6 =	vmax.f32 v8, v6;
	v10 =	vld [tilespmem:s22+$0x4F0];
	v9 =	vmul.f32 $5.120000000e+02, v9  }
0x6e: {  	v6 =	vmul.f32 $5.120000000e+02, v6;
	v8 =	vsub.f32 v5, v7;
	[tilespmem:s24+$0xFFFFF880] =	vst v7  }
0x6f: {  	[tilespmem:s24+$0xFFFFFB00] =	vst v9  }
0x70: {  	v7 =	vsub.f32 v6, v9;
	vm8 =	vgt.f32 v8, $5.120000080e+01;
	[tilespmem:s24+$0x0] =	vst v6  }
0x71: {  	[tilespmem:s24+$0xFFFFFD80] =	vst v5  }
0x72: {  	vm9 =	vgt.f32 v7, $5.120000080e+01;
	v5 =	vmul.f32 v7, v8  }
0x73: {  	vm8 =	vmand vm8, vm9  }
0x74: {  	[tilespmem:s24+$0x280] =	vst v5;
	v5 =	vnsel vm8, $0xF149F2CA, v10  }
0x75: {  	[tilespmem:s24+$0x500] =	vst v5  }
0x76: {  	v5 =	vld [tilespmem:s22+$0x280]  }
0x77: {  	v6 =	vld [tilespmem:s22+$0xFFFFFB00]  }
0x78: {  	v7 =	vld [tilespmem:s22+$0xFFFFFD80]  }
0x79: {  	v8 =	vld [tilespmem:s22+$0x0];
	_ =	sdelay $0x3  }
0x7a: {  	v9 =	vmin.f32 v7, v5  }
0x7b: {  	v5 =	vmax.f32 v7, v5;
	v10 =	vmin.f32 v6, v8;
	v6 =	vmax.f32 v6, v8  }
0x7c: {  	v7 =	vmul.f32 $5.120000000e+02, v10;
	v6 =	vmul.f32 $5.120000000e+02, v6  }
0x7d: {  	v9 =	vmul.f32 $5.120000000e+02, v9;
	v5 =	vmul.f32 $5.120000000e+02, v5;
	v8 =	vld [tilespmem:s22+$0x500]  }
0x7e: {  	v10 =	vsub.f32 v6, v7;
	[tilespmem:s24+$0xFFFFF890] =	vst v7  }
.Ltmp0:
0x7f: {  	v7 =	vsub.f32 v5, v9;
	[tilespmem:s24+$0xFFFFFB10] =	vst v9;
	(pc) =	sbr.rel @p1 .LBB2_2-.Ltmp0, $4  }
0x80: {  	[tilespmem:s24+$0x10] =	vst v5  }
0x81: {  	vm8 =	vgt.f32 v7, $5.120000080e+01;
	vm9 =	vgt.f32 v10, $5.120000080e+01;
	v5 =	vmul.f32 v7, v10;
	[tilespmem:s24+$0xFFFFFD90] =	vst v6  }
0x82: {  	vm8 =	vmand vm9, vm8  }
0x83: {  	s22 =	sadd.s32 $0x40, s22;
	[tilespmem:s24+$0x290] =	vst v5;
	v5 =	vnsel vm8, $0xF149F2CA, v8  }
0x84: {  	[tilespmem:s20+$0x510] =	vst v5  }
0x85: {  	v5 =	vld [tilespmem:s19+$0x290]  }
0x86: {  	v6 =	vld [tilespmem:s19+$0x10]  }
0x87: {  	v7 =	vld [tilespmem:s19+$0xFFFFFD90]  }
0x88: {  	v8 =	vld [tilespmem:s19+$0xFFFFFB10];
	_ =	sdelay $0x4  }
0x89: {  	v9 =	vmin.f32 v7, v5;
	v10 =	vmin.f32 v8, v6;
	v5 =	vmax.f32 v7, v5  }
0x8a: {  	v6 =	vmax.f32 v8, v6;
	v9 =	vmul.f32 $5.120000000e+02, v9;
	v61 =	vmul.f32 $5.120000000e+02, v10  }
0x8b: {  	v5 =	vmul.f32 $5.120000000e+02, v5;
	v6 =	vmul.f32 $5.120000000e+02, v6  }
0x8c: {  	v62 =	vld [tilespmem:s19+$0x510]  }
0x8d: {  	[tilespmem:s20+$0xFFFFFB20] =	vst v9;
	v9 =	vsub.f32 v5, v9;
	v10 =	vsub.f32 v6, v61  }
0x8e: {  	[tilespmem:s20+$0xFFFFF8A0] =	vst v61  }
0x8f: {  	[tilespmem:s20+$0xFFFFFDA0] =	vst v6;
	vm8 =	vgt.f32 v9, $5.120000080e+01;
	vm9 =	vgt.f32 v10, $5.120000080e+01;
	v63 =	vmul.f32 v9, v10  }
0x90: {  	[tilespmem:s20+$0x20] =	vst v5;
	vm8 =	vmand vm9, vm8  }
0x91: {  	[tilespmem:s20+$0x2A0] =	vst v63;
	v5 =	vnsel vm8, $0xF149F2CA, v62  }
0x92: {  	[tilespmem:s20+$0x520] =	vst v5  }
0x93: {  	[tilespmem:$0x1D00] =	vst v1  }
0x94: {  	[tilespmem:$0x1D10] =	vst v1  }
0x95: {  	[tilespmem:$0x1D20] =	vst v1  }
0x96: {  	[tilespmem:$0x1D30] =	vst v1  }
0x97: {  	[tilespmem:$0x1D40] =	vst v1  }
0x98: {  	[tilespmem:$0x1D50] =	vst v1  }
0x99: {  	[tilespmem:$0x1D60] =	vst v1  }
0x9a: {  	[tilespmem:$0x1D70] =	vst v1  }
0x9b: {  	[tilespmem:$0x1D80] =	vst v1  }
0x9c: {  	[tilespmem:$0x1D90] =	vst v1  }
0x9d: {  	[tilespmem:$0x1DA0] =	vst v1  }
0x9e: {  	[tilespmem:$0x1DB0] =	vst v1  }
0x9f: {  	[tilespmem:$0x1DC0] =	vst v1  }
0xa0: {  	[tilespmem:$0x1DD0] =	vst v1  }
0xa1: {  	[tilespmem:$0x1DE0] =	vst v1  }
0xa2: {  	[tilespmem:$0x1DF0] =	vst v1  }
0xa3: {  	[tilespmem:$0x1E00] =	vst v1  }
0xa4: {  	[tilespmem:$0x1E10] =	vst v1  }
0xa5: {  	[tilespmem:$0x1E20] =	vst v1  }
0xa6: {  	[tilespmem:$0x1E30] =	vst v1  }
0xa7: {  	[tilespmem:$0x1E40] =	vst v1  }
0xa8: {  	[tilespmem:$0x1E50] =	vst v1  }
0xa9: {  	v4 =	vcvt.s32.f32 v4;
	[tilespmem:$0x1E60] =	vst v1  }
0xaa: {  	[tilespmem:$0x1E70] =	vst v1  }
0xab: {  	v5 =	vnsel vm2, $0x0, v4;
	[tilespmem:$0x1E80] =	vst v1  }
0xac: {  	v4 =	vnsel vm1, $0x0, v4;
	(xrf0) =	vmax.scan.msk.f32 $0xffff, v5;
	[tilespmem:$0x1E90] =	vst v1  }
0xad: {  	[tilespmem:$0x1EA0] =	vst v1;
	(xrf0) =	vmax.scan.msk.f32 $0xffff, v4  }
0xae: {  	[tilespmem:$0x1EB0] =	vst v1  }
0xaf: {  	[tilespmem:$0x1EC0] =	vst v1  }
0xb0: {  	[tilespmem:$0x1ED0] =	vst v1  }
0xb1: {  	[tilespmem:$0x1EE0] =	vst v1  }
0xb2: {  	[tilespmem:$0x1EF0] =	vst v1;
	v4, _, _ =	vpop (xrf0)  }
0xb3: {  	[tilespmem:$0x1F00] =	vst v1;
	(v2sf) =	vpush v4, $0xF;
	v4, _, _ =	vpop (xrf0)  }
0xb4: {  	[tilespmem:$0x1F10] =	vst v1;
	(v2sf) =	vpush v4, $0xF  }
0xb5: {  	[tilespmem:$0x1F20] =	vst v1  }
0xb6: {  	[tilespmem:$0x1F30] =	vst v1  }
0xb7: {  	[tilespmem:$0x1F40] =	vst v1  }
0xb8: {  	[tilespmem:$0x1F50] =	vst v1  }
0xb9: {  	[tilespmem:$0x1F60] =	vst v1  }
0xba: {  	[tilespmem:$0x1F70] =	vst v1  }
0xbb: {  	[tilespmem:$0x1F80] =	vst v1  }
0xbc: {  	[tilespmem:$0x1F90] =	vst v1  }
0xbd: {  	[tilespmem:$0x1FA0] =	vst v1  }
0xbe: {  	[tilespmem:$0x1FB0] =	vst v1  }
0xbf: {  	[tilespmem:$0x1FC0] =	vst v1  }
0xc0: {  	[tilespmem:$0x1FD0] =	vst v1  }
0xc1: {  	s29 =	simm.f32 $0.0e+00;
	p1 =	por $0x0, $0x0;
	s22 =	simm.s32 $0x0;
	[tilespmem:$0x1FE0] =	vst v1  }
0xc2: {  	s21 =	simm.s32 $0x0;
	s28 =	simm.f32 $0.0e+00;
	[tilespmem:$0x1FF0] =	vst v1;
	s30 =	spop (v2sf)  }
0xc3: {  	s23 =	simm.f32 $0.0e+00;
	s24 =	simm.f32 $0.0e+00;
	[tilespmem:$0x2000] =	vst v1;
	s31 =	spop (v2sf)  }
0xc4: {  	s26 =	simm.f32 $0.0e+00;
	[tilespmem:$0x2010] =	vst v1;
	s19 =	scvt.f32.s32 s30;
	s20 =	scvt.f32.s32 s31  }
.LBB2_4:
0xc5: {  	s25 =	simm.s32 $0x1970  }
0xc6: {  	v9 =	vld [tilespmem:s25+$0xFFFFFD80]  }
0xc7: {  	v10 =	vld [tilespmem:s25+$0xFFFFFD70]  }
0xc8: {  	v11 =	vld [tilespmem:s25+$0xFFFFFD60]  }
0xc9: {  	v12 =	vld [tilespmem:s25+$0xFFFFF380]  }
0xca: {  	v13 =	vld [tilespmem:s25+$0xFFFFF600]  }
0xcb: {  	v14 =	vld [tilespmem:s25+$0xFFFFF880]  }
0xcc: {  	v15 =	vld [tilespmem:s25+$0xFFFFFB00]  }
0xcd: {  	v16 =	vld [tilespmem:s25+$0xFFFFFD50]  }
0xce: {  	v17 =	vld [tilespmem:s25+$0xFFFFF370]  }
0xcf: {  	v18 =	vld [tilespmem:s25+$0xFFFFF5F0]  }
0xd0: {  	v19 =	vld [tilespmem:s25+$0xFFFFF870]  }
0xd1: {  	v20 =	vld [tilespmem:s25+$0xFFFFFAF0]  }
0xd2: {  	v21 =	vld [tilespmem:s25+$0xFFFFFD40]  }
0xd3: {  	v22 =	vld [tilespmem:s25+$0xFFFFF360]  }
0xd4: {  	v23 =	vld [tilespmem:s25+$0xFFFFF5E0]  }
0xd5: {  	v24 =	vld [tilespmem:s25+$0xFFFFF860]  }
0xd6: {  	v25 =	vld [tilespmem:s25+$0xFFFFFAE0]  }
0xd7: {  	v26 =	vld [tilespmem:s25+$0xFFFFFD30]  }
0xd8: {  	v27 =	vld [tilespmem:s25+$0xFFFFF350]  }
0xd9: {  	v28 =	vld [tilespmem:s25+$0xFFFFF5D0]  }
0xda: {  	v29 =	vld [tilespmem:s25+$0xFFFFF850]  }
0xdb: {  	v30 =	vld [tilespmem:s25+$0xFFFFFAD0]  }
0xdc: {  	v31 =	vld [tilespmem:s25+$0xFFFFFD20]  }
0xdd: {  	v32 =	vld [tilespmem:s25+$0xFFFFF340]  }
0xde: {  	v4 =	vmov s26;
	v33 =	vld [tilespmem:s25+$0xFFFFF5C0]  }
0xdf: {  	v5 =	vmov s24;
	v6 =	vmov s29;
	vm8 =	vmmov vm3;
	v34 =	vld [tilespmem:s25+$0xFFFFF840]  }
0xe0: {  	v7 =	vmov s23;
	v8 =	vmov s28;
	s30 =	simm.s32 $0x40;
	v35 =	vld [tilespmem:s25+$0xFFFFFAC0];
	vm8 =	vmneg @p1 vm8  }
0xe1: {  	v36 =	vld [tilespmem:s25+$0xFFFFFD10];
	v50 =	vor.u32 s30, v0;
	v10 =	vadd.f32 v10, v6;
	v9 =	vadd.f32 v9, v6  }
0xe2: {  	v37 =	vld [tilespmem:s25+$0xFFFFF330];
	v11 =	vadd.f32 v11, v6;
	v12 =	vmax.f32 v12, v4;
	v13 =	vmax.f32 v13, v5  }
0xe3: {  	v38 =	vld [tilespmem:s25+$0xFFFFF5B0];
	v14 =	vmin.f32 v14, v7;
	v15 =	vmin.f32 v15, v8;
	v16 =	vadd.f32 v16, v6  }
0xe4: {  	v39 =	vld [tilespmem:s25+$0xFFFFF830];
	v17 =	vmax.f32 v17, v4;
	v18 =	vmax.f32 v18, v5;
	v19 =	vmin.f32 v19, v7  }
0xe5: {  	v40 =	vld [tilespmem:s25+$0xFFFFFAB0];
	v20 =	vmin.f32 v20, v8;
	v21 =	vadd.f32 v21, v6;
	v22 =	vmax.f32 v22, v4  }
0xe6: {  	v41 =	vld [tilespmem:s25+$0xFFFFF320];
	v23 =	vmax.f32 v23, v5;
	v26 =	vadd.f32 v26, v6;
	v24 =	vmin.f32 v24, v7  }
0xe7: {  	v42 =	vld [tilespmem:s25+$0xFFFFF5A0];
	v25 =	vmin.f32 v25, v8;
	v27 =	vmax.f32 v27, v4;
	v28 =	vmax.f32 v28, v5  }
0xe8: {  	v43 =	vld [tilespmem:s25+$0xFFFFF820];
	v29 =	vmin.f32 v29, v7;
	v31 =	vadd.f32 v31, v6;
	v32 =	vmax.f32 v32, v4  }
0xe9: {  	v44 =	vld [tilespmem:s25+$0xFFFFFAA0];
	v30 =	vmin.f32 v30, v8;
	v33 =	vmax.f32 v33, v5;
	v34 =	vmin.f32 v34, v7  }
0xea: {  	v45 =	vld [tilespmem:s25+$0xFFFFF310];
	v35 =	vmin.f32 v35, v8;
	v36 =	vadd.f32 v36, v6;
	v37 =	vmax.f32 v37, v4  }
0xeb: {  	v46 =	vld [tilespmem:s25+$0xFFFFF590];
	v38 =	vmax.f32 v38, v5;
	v41 =	vmax.f32 v41, v4;
	v39 =	vmin.f32 v39, v7  }
0xec: {  	v47 =	vld [tilespmem:s25+$0xFFFFF810];
	v40 =	vmin.f32 v40, v8;
	v42 =	vmax.f32 v42, v5;
	v12 =	vsub.f32 v14, v12  }
0xed: {  	v13 =	vsub.f32 v15, v13;
	v15 =	vmin.f32 v43, v7;
	v17 =	vsub.f32 v19, v17  }
0xee: {  	v18 =	vsub.f32 v20, v18;
	v19 =	vmin.f32 v44, v8;
	v20 =	vsub.f32 v24, v22  }
0xef: {  	v22 =	vsub.f32 v25, v23;
	v23 =	vmax.f32 v45, v4;
	v24 =	vsub.f32 v29, v27  }
0xf0: {  	v25 =	vsub.f32 v30, v28;
	v27 =	vmax.f32 v46, v5;
	v28 =	vsub.f32 v34, v32  }
0xf1: {  	v29 =	vsub.f32 v35, v33;
	v30 =	vmin.f32 v47, v7;
	v59 =	vsub.f32 v39, v37  }
0xf2: {  	v60 =	vsub.f32 v40, v38;
	v37 =	vcvt.s32.f32 v50;
	v61 =	vsub.f32 v15, v41  }
0xf3: {  	v19 =	vsub.f32 v19, v42;
	v15 =	vimm.f32 $-1.000000020e+30;
	v23 =	vsub.f32 v30, v23  }
0xf4: {  	v14 =	vld [tilespmem:s25+$0xFFFFFA90];
	v17 =	vmax.f32 v17, $0.0e+00;
	v12 =	vmax.f32 v12, $0.0e+00;
	v13 =	vmax.f32 v13, $0.0e+00  }
0xf5: {  	v20 =	vmax.f32 v20, $0.0e+00;
	v22 =	vmax.f32 v22, $0.0e+00;
	v18 =	vmax.f32 v18, $0.0e+00  }
0xf6: {  	s23 =	simm.s32 $0x19F0;
	v24 =	vmax.f32 v24, $0.0e+00;
	v25 =	vmax.f32 v25, $0.0e+00;
	v30 =	vmax.f32 v60, $0.0e+00  }
0xf7: {  	v32 =	vld [tilespmem:s23+$0xFFFFF370];
	v29 =	vmax.f32 v29, $0.0e+00;
	v62 =	vmax.f32 v61, $0.0e+00;
	v63 =	vmul.f32 v13, v12  }
0xf8: {  	v12 =	vmax.f32 v23, $0.0e+00;
	v17 =	vmul.f32 v18, v17;
	v23 =	vmul.f32 v25, v24  }
0xf9: {  	v35 =	vld [tilespmem:s23+$0xFFFFF870];
	v20 =	vmul.f32 v22, v20;
	v14 =	vmin.f32 v14, v8;
	v9 =	vsub.f32 v9, v63  }
0xfa: {  	v46 =	vld [tilespmem:s23+$0xFFFFF5C0];
	v19 =	vmax.f32 v19, $0.0e+00;
	v10 =	vsub.f32 v10, v17;
	v14 =	vsub.f32 v14, v27  }
0xfb: {  	v19 =	vmul.f32 v19, v62;
	v11 =	vsub.f32 v11, v20;
	v16 =	vsub.f32 v16, v23  }
0xfc: {  	v32 =	vmax.f32 v32, v4;
	v27 =	vmax.f32 v28, $0.0e+00;
	v14 =	vmax.f32 v14, $0.0e+00  }
0xfd: {  	v28 =	vmax.f32 v59, $0.0e+00;
	v24 =	vmul.f32 v29, v27;
	v29 =	vld [tilespmem:s23+$0xFFFFF600];
	v12 =	vmul.f32 v14, v12  }
0xfe: {  	v35 =	vmin.f32 v35, v7;
	v27 =	vmul.f32 v30, v28;
	v9 =	vadd.f32 $9.999999710e-10, v9;
	v30 =	vld [tilespmem:s23+$0xFFFFF880]  }
0xff: {  	v46 =	vmax.f32 v46, v5;
	v10 =	vadd.f32 $9.999999710e-10, v10;
	v14 =	vsub.f32 v36, v12  }
0x100: {  	v32 =	vsub.f32 v35, v32;
	v11 =	vadd.f32 $9.999999710e-10, v11;
	(erf) = vrcp.f32 v9  }
0x101: {  	v58 =	vld [tilespmem:s23+$0xFFFFFD30];
	(erf) = vrcp.f32 v10;
	v9 =	vadd.f32 $9.999999710e-10, v14;
	v14 =	vsub.f32 v31, v19  }
0x102: {  	v44 =	vld [tilespmem:s23+$0xFFFFF5E0];
	v16 =	vadd.f32 $9.999999710e-10, v16;
	v10 =	vsub.f32 v26, v27;
	(erf) = vrcp.f32 v11  }
0x103: {  	v18 =	vld [tilespmem:s23+$0xFFFFFD80];
	v29 =	vmax.f32 v29, v5;
	v30 =	vmin.f32 v30, v7;
	v11 =	vadd.f32 $9.999999710e-10, v14  }
0x104: {  	s24 =	simm.s32 $0x70;
	v31 =	vld [tilespmem:s23+$0xFFFFFB00];
	v14 =	vsub.f32 v21, v24;
	(erf) = vrcp.f32 v9;
	v21 =	vimm.f32 $0.0e+00  }
0x105: {  	v47 =	vld [tilespmem:s23+$0xFFFFF860];
	v9 =	vadd.f32 $9.999999710e-10, v10;
	v10 =	vor.u32 s24, v0;
	(erf) = vrcp.f32 v16  }
0x106: {  	s26 =	simm.s32 $0x50;
	s29 =	simm.s32 $0x30;
	v22 =	vld [tilespmem:s23+$0xFFFFFD70];
	v49 =	vadd.f32 $9.999999710e-10, v14;
	(erf) = vrcp.f32 v11;
	v14 =	vcvt.s32.f32 v10  }
0x107: {  	s31 =	simm.s32 $0x60;
	v25 =	vld [tilespmem:s23+$0xFFFFFD60];
	v10 =	vor.u32 s26, v0;
	v11 =	vor.u32 s29, v0;
	(erf) = vrcp.f32 v9  }
0x108: {  	v28 =	vld [tilespmem:s23+$0xFFFFF380];
	v9 =	vor.u32 s31, v0;
	v39 =	vcvt.s32.f32 v10;
	v53 =	vcvt.s32.f32 v11  }
0x109: {  	v36 =	vld [tilespmem:s23+$0xFFFFFAF0];
	s31 =	simm.s32 $0x20;
	v11 =	vadd.f32 v18, v6;
	v31 =	vmin.f32 v31, v8;
	(erf) = vrcp.f32 v49  }
0x10a: {  	s30 =	simm.s32 $0x10;
	v54 =	vpop (erf);
	v51 =	vor.u32 s31, v0;
	v52 =	vcvt.s32.f32 v9;
	s31 =	simm.s32 $0x0;
	v29 =	vsub.f32 v31, v29;
	v31 =	vld [tilespmem:s23+$0xFFFFF320]  }
0x10b: {  	v26 =	vld [tilespmem:s23+$0xFFFFFD50];
	v9 =	vor.u32 s30, v0;
	v56 =	vpop (erf);
	v33 =	vmul.f32 v54, v63;
	v10 =	vor.u32 s31, v0  }
0x10c: {  	v54 =	vld [tilespmem:s23+$0xFFFFF590];
	v55 =	vcvt.s32.f32 v9;
	v38 =	vcvt.s32.f32 v51;
	v9 =	vadd.f32 v22, v6;
	v18 =	vpop (erf)  }
0x10d: {  	v22 =	vcvt.s32.f32 v10;
	v10 =	vadd.f32 v25, v6;
	v25 =	vmax.f32 v28, v4;
	v28 =	vld [tilespmem:s25+$0xFFFFFF90];
	v48 =	vpop (erf)  }
0x10e: {  	v61 =	vld [tilespmem:s23+$0xFFFFF350];
	v36 =	vmin.f32 v36, v8;
	v17 =	vmul.f32 v56, v17;
	v48 =	vmul.f32 v48, v12  }
0x10f: {  	v34 =	vld [tilespmem:s23+$0xFFFFFD40];
	v56 =	vmax.f32 v44, v5;
	v18 =	vmul.f32 v18, v20;
	v31 =	vmax.f32 v31, v4;
	v50 =	vpop (erf)  }
0x110: {  	v12 =	vadd.f32 v26, v6;
	v26 =	vld [tilespmem:s25+$0xFFFFFFA0];
	v57 =	vpop (erf);
	v23 =	vmul.f32 v50, v23;
	vm9 =	vgt.f32 v48, $6.999999880e-01  }
0x111: {  	v41 =	vld [tilespmem:s23+$0xFFFFF360];
	v19 =	vmul.f32 v57, v19;
	v59 =	vpop (erf);
	v57 =	vmin.f32 v47, v7;
	vm9 =	vmand vm8, vm9  }
0x112: {  	v20 =	vld [tilespmem:s25+$0xFFFFFFB0];
	v48 =	vmax.f32 v54, v5;
	v27 =	vmul.f32 v59, v27;
	v60 =	vpop (erf);
	v28 =	vsel vm9, $0xF149F2CA, v28  }
0x113: {  	v59 =	vld [tilespmem:s23+$0xFFFFF5A0];
	vm9 =	vgt.f32 v19, $6.999999880e-01;
	v19 =	vmul.f32 v60, v24;
	v60 =	vmax.f32 v61, v4  }
0x114: {  	v24 =	vld [tilespmem:s25+$0xFFFFFFC0];
	vm10 =	vgt.f32 v28, v15;
	vm9 =	vmand vm8, vm9;
	vm11 =	vgt.f32 v27, $6.999999880e-01  }
0x115: {  	v61 =	vld [tilespmem:s23+$0xFFFFF820];
	v15 =	vsel vm10, v28, v15;
	v26 =	vsel vm9, $0xF149F2CA, v26;
	v21 =	vsel vm10, v22, v21  }
0x116: {  	v27 =	vld [tilespmem:s23+$0xFFFFF5D0];
	vm10 =	vmand vm8, vm11;
	vm11 =	vgt.f32 v19, $6.999999880e-01;
	vm9 =	vgt.f32 v26, v15  }
0x117: {  	v22 =	vld [tilespmem:s25+$0xFFFFFFD0];
	v20 =	vsel vm10, $0xF149F2CA, v20;
	vm10 =	vmand vm8, vm11;
	vm11 =	vgt.f32 v23, $6.999999880e-01  }
0x118: {  	v62 =	vld [tilespmem:s25+$0xFFFFFFE0];
	v15 =	vsel vm9, v26, v15;
	v21 =	vsel vm9, v55, v21;
	v35 =	vmax.f32 v59, v5  }
0x119: {  	v63 =	vld [tilespmem:s23+$0xFFFFFD20];
	vm9 =	vgt.f32 v20, v15;
	v24 =	vsel vm10, $0xF149F2CA, v24;
	vm10 =	vmand vm8, vm11  }
0x11a: {  	v19 =	vld [tilespmem:s23+$0xFFFFF850];
	vm11 =	vgt.f32 v18, $6.999999880e-01;
	v47 =	vmin.f32 v61, v7;
	v61 =	vmax.f32 v32, $0.0e+00  }
0x11b: {  	v23 =	vld [tilespmem:s23+$0xFFFFFAD0];
	v15 =	vsel vm9, v20, v15;
	v21 =	vsel vm9, v38, v21;
	v27 =	vmax.f32 v27, v5  }
0x11c: {  	v13 =	vld [tilespmem:s25+$0xFFFFFFF0];
	v47 =	vsub.f32 v47, v31;
	vm9 =	vgt.f32 v24, v15;
	v22 =	vsel vm10, $0xF149F2CA, v22  }
0x11d: {  	v55 =	vld [tilespmem:s25+$0x0];
	vm10 =	vmand vm8, vm11;
	vm11 =	vgt.f32 v17, $6.999999880e-01;
	v15 =	vsel vm9, v24, v15  }
0x11e: {  	v18 =	vld [tilespmem:s23+$0xFFFFF340];
	v21 =	vsel vm9, v53, v21;
	v45 =	vsel vm10, $0xF149F2CA, v62;
	vm10 =	vmand vm8, vm11  }
0x11f: {  	v50 =	vld [tilespmem:s23+$0xFFFFF330];
	vm11 =	vgt.f32 v33, $6.999999880e-01;
	v62 =	vmin.f32 v19, v7;
	v19 =	vadd.f32 v63, v6  }
0x120: {  	v49 =	vld [tilespmem:s23+$0xFFFFFAE0];
	v23 =	vmin.f32 v23, v8;
	vm9 =	vgt.f32 v22, v15;
	v44 =	vsub.f32 v62, v60  }
0x121: {  	v33 =	vld [tilespmem:s23+$0xFFFFFAC0];
	v23 =	vsub.f32 v23, v27;
	v62 =	vmax.f32 v29, $0.0e+00;
	v15 =	vsel vm9, v22, v15  }
0x122: {  	v16 =	vld [tilespmem:s23+$0xFFFFF5F0];
	v17 =	vsel vm9, v37, v21;
	v37 =	vsel vm10, $0xF149F2CA, v13;
	vm10 =	vmand vm8, vm11  }
0x123: {  	v51 =	vld [tilespmem:s23+$0xFFFFF5B0];
	v18 =	vmax.f32 v18, v4;
	vm9 =	vgt.f32 v45, v15;
	v42 =	vsel vm10, $0xF149F2CA, v55  }
0x124: {  	v27 =	vld [tilespmem:s23+$0xFFFFF810];
	v55 =	vmax.f32 v50, v4;
	v31 =	vmax.f32 v23, $0.0e+00;
	v15 =	vsel vm9, v45, v15  }
0x125: {  	v21 =	vld [tilespmem:s23+$0xFFFFF840];
	v13 =	vsel vm9, v39, v17;
	v17 =	vadd.f32 v58, v6;
	vm9 =	vgt.f32 v37, v15  }
0x126: {  	v63 =	vld [tilespmem:s23+$0xFFFFFAA0];
	v58 =	vmin.f32 v49, v8;
	v33 =	vmin.f32 v33, v8;
	v15 =	vsel vm9, v37, v15  }
0x127: {  	v53 =	vld [tilespmem:s23+$0xFFFFF830];
	v40 =	vsel vm9, v52, v13;
	v52 =	vmax.f32 v16, v5;
	v16 =	vadd.f32 v34, v6  }
0x128: {  	v39 =	vld [tilespmem:s23+$0xFFFFFD10];
	v34 =	vsub.f32 v58, v56;
	v56 =	vmax.f32 v51, v5;
	v33 =	vsub.f32 v33, v46  }
0x129: {  	v27 =	vmin.f32 v27, v7;
	vm9 =	vgt.f32 v42, v15;
	v36 =	vsub.f32 v36, v52  }
0x12a: {  	v52 =	vld [tilespmem:s23+$0xFFFFF310];
	v21 =	vmin.f32 v21, v7;
	v13 =	vsel vm9, v42, v15;
	v15 =	vsub.f32 v30, v25  }
0x12b: {  	v30 =	vld [tilespmem:s23+$0xFFFFFAB0];
	v25 =	vmax.f32 v41, v4;
	v18 =	vsub.f32 v21, v18;
	v41 =	vmin.f32 v63, v8  }
0x12c: {  	[tilespmem:s25+$0xFFFFFF90] =	vst v28;
	v21 =	vld [tilespmem:s23+$0xFFFFFA90];
	v14 =	vsel vm9, v14, v40;
	v28 =	vmax.f32 v34, $0.0e+00;
	v23 =	vmax.f32 v33, $0.0e+00  }
0x12d: {  	[tilespmem:s25+$0xFFFFFFA0] =	vst v26;
	v38 =	vsub.f32 v57, v25;
	v25 =	vadd.f32 v39, v6;
	v57 =	vmin.f32 v53, v7  }
0x12e: {  	[tilespmem:s25+$0xFFFFFFB0] =	vst v20;
	v35 =	vsub.f32 v41, v35;
	v63 =	vmax.f32 v36, $0.0e+00;
	v39 =	vsub.f32 v57, v55  }
0x12f: {  	[tilespmem:s25+$0xFFFFFFC0] =	vst v24;
	v15 =	vmax.f32 v15, $0.0e+00;
	v20 =	vmul.f32 v63, v61;
	v26 =	vmax.f32 v38, $0.0e+00  }
0x130: {  	[tilespmem:s25+$0xFFFFFFD0] =	vst v22;
	v29 =	vmax.f32 v35, $0.0e+00;
	v43 =	vmax.f32 v52, v4;
	v22 =	vmax.f32 v39, $0.0e+00  }
0x131: {  	[tilespmem:s25+$0xFFFFFFE0] =	vst v45;
	v30 =	vmin.f32 v30, v8;
	v21 =	vmin.f32 v21, v8;
	v59 =	vsub.f32 v27, v43  }
0x132: {  	[tilespmem:s25+$0xFFFFFFF0] =	vst v37;
	v27 =	vmax.f32 v47, $0.0e+00;
	v58 =	vsub.f32 v30, v56;
	v60 =	vsub.f32 v21, v48  }
0x133: {  	[tilespmem:s25+$0x0] =	vst v42;
	v21 =	vmax.f32 v18, $0.0e+00;
	v30 =	vmax.f32 v44, $0.0e+00;
	v18 =	vmul.f32 v62, v15  }
0x134: {  	s26 =	simm.s32 $0x1A70;
	s25 =	simm.s32 $0x8;
	v15 =	vld [tilespmem:s23+$0xFFFFFFF0];
	v32 =	vmax.f32 v59, $0.0e+00;
	v24 =	vmax.f32 v58, $0.0e+00;
	v33 =	vmax.f32 v60, $0.0e+00  }
.LBB2_5:
0x135: {  	v34 =	vld [tilespmem:s26+$0xFFFFFD80];
	v35 =	vmul.f32 v31, v30;
	v36 =	vmul.f32 v28, v26;
	v11 =	vsub.f32 v11, v18  }
0x136: {  	v32 =	vmul.f32 v33, v32;
	v33 =	vmul.f32 v23, v21;
	v37 =	vld [tilespmem:s26+$0xFFFFFD70];
	v9 =	vsub.f32 v9, v20  }
0x137: {  	v38 =	vmul.f32 v24, v22;
	v21 =	vld [tilespmem:s26+$0xFFFFFD60];
	v10 =	vsub.f32 v10, v36;
	v11 =	vadd.f32 $9.999999710e-10, v11  }
0x138: {  	v39 =	vmul.f32 v29, v27;
	v23 =	vsub.f32 v25, v32;
	v22 =	vld [tilespmem:s26+$0xFFFFF380];
	v9 =	vadd.f32 $9.999999710e-10, v9  }
0x139: {  	v12 =	vsub.f32 v12, v35;
	v24 =	vld [tilespmem:s26+$0xFFFFF600];
	v10 =	vadd.f32 $9.999999710e-10, v10;
	(erf) = vrcp.f32 v11  }
0x13a: {  	v19 =	vsub.f32 v19, v39;
	v11 =	vadd.f32 $9.999999710e-10, v23;
	v40 =	vld [tilespmem:s26+$0xFFFFF880];
	(erf) = vrcp.f32 v9  }
0x13b: {  	v12 =	vadd.f32 $9.999999710e-10, v12;
	v9 =	vsub.f32 v17, v38;
	v41 =	vld [tilespmem:s26+$0xFFFFFB00];
	(erf) = vrcp.f32 v10  }
0x13c: {  	s24 =	sadd.s32 $0x80, s24;
	v16 =	vsub.f32 v16, v33;
	v10 =	vadd.f32 $9.999999710e-10, v19;
	v42 =	vld [tilespmem:s26+$0xFFFFFD50];
	(erf) = vrcp.f32 v11  }
0x13d: {  	v9 =	vadd.f32 $9.999999710e-10, v9;
	v11 =	vor.u32 s24, v0;
	v19 =	vld [tilespmem:s26+$0xFFFFF370];
	(erf) = vrcp.f32 v12  }
0x13e: {  	s28 =	sadd.s32 $0xFFFFFFE0, s24;
	s29 =	sadd.s32 $0xFFFFFFF0, s24;
	v12 =	vadd.f32 $9.999999710e-10, v16;
	v16 =	vcvt.s32.f32 v11;
	v17 =	vld [tilespmem:s26+$0xFFFFF5F0];
	(erf) = vrcp.f32 v10  }
0x13f: {  	s30 =	sadd.s32 $0xFFFFFFC0, s24;
	s31 =	sadd.s32 $0xFFFFFFD0, s24;
	v11 =	vor.u32 s29, v0;
	v10 =	vor.u32 s28, v0;
	v25 =	vld [tilespmem:s26+$0xFFFFF870];
	(erf) = vrcp.f32 v9  }
0x140: {  	v23 =	vor.u32 s31, v0;
	s28 =	sadd.s32 $0xFFFFFFB0, s24;
	v9 =	vor.u32 s30, v0;
	v26 =	vld [tilespmem:s26+$0xFFFFFAF0];
	(erf) = vrcp.f32 v12  }
0x141: {  	s29 =	sadd.s32 $0xFFFFFFA0, s24;
	v31 =	vcvt.s32.f32 v11;
	v43 =	vcvt.s32.f32 v10;
	v12 =	vor.u32 s28, v0;
	v27 =	vld [tilespmem:s26+$0xFFFFFD40]  }
0x142: {  	v45 =	vcvt.s32.f32 v23;
	v10 =	vor.u32 s29, v0;
	s28 =	sadd.s32 $0xFFFFFF90, s24;
	v44 =	vcvt.s32.f32 v9;
	v28 =	vld [tilespmem:s26+$0xFFFFF360];
	v46 =	vpop (erf)  }
0x143: {  	v47 =	vcvt.s32.f32 v10;
	v23 =	vor.u32 s28, v0;
	v48 =	vcvt.s32.f32 v12;
	v29 =	vld [tilespmem:s26+$0xFFFFF5E0];
	v49 =	vpop (erf)  }
0x144: {  	v11 =	vadd.f32 v34, v6;
	v9 =	vadd.f32 v37, v6;
	v34 =	vcvt.s32.f32 v23;
	v30 =	vld [tilespmem:s26+$0xFFFFF860];
	v37 =	vpop (erf)  }
0x145: {  	v10 =	vadd.f32 v21, v6;
	v21 =	vmax.f32 v22, v4;
	v22 =	vmax.f32 v24, v5;
	v50 =	vld [tilespmem:s23+$0xFFFFFF90];
	v12 =	vpop (erf)  }
0x146: {  	v24 =	vmin.f32 v41, v8;
	v23 =	vmin.f32 v40, v7;
	v51 =	vld [tilespmem:s26+$0xFFFFFAE0];
	v32 =	vmul.f32 v12, v32;
	v40 =	vpop (erf)  }
0x147: {  	v18 =	vmul.f32 v46, v18;
	v20 =	vmul.f32 v49, v20;
	v12 =	vadd.f32 v42, v6;
	v41 =	vld [tilespmem:s23+$0xFFFFFFA0];
	v42 =	vpop (erf)  }
0x148: {  	v36 =	vmul.f32 v37, v36;
	v46 =	vld [tilespmem:s26+$0xFFFFFD30];
	vm9 =	vgt.f32 v32, $6.999999880e-01;
	v32 =	vmul.f32 v42, v39;
	v37 =	vpop (erf)  }
0x149: {  	v35 =	vmul.f32 v40, v35;
	vm9 =	vmand vm8, vm9;
	v39 =	vld [tilespmem:s23+$0xFFFFFFB0];
	v37 =	vmul.f32 v37, v38;
	v38 =	vpop (erf)  }
0x14a: {  	v40 =	vld [tilespmem:s26+$0xFFFFF350];
	v42 =	vsel vm9, $0xF149F2CA, v50;
	vm9 =	vgt.f32 v32, $6.999999880e-01;
	v32 =	vmul.f32 v38, v33  }
0x14b: {  	[tilespmem:s23+$0xFFFFFF90] =	vst v42;
	vm10 =	vgt.f32 v42, v13;
	vm9 =	vmand vm8, vm9;
	vm11 =	vgt.f32 v37, $6.999999880e-01;
	v33 =	vld [tilespmem:s23+$0xFFFFFFC0]  }
0x14c: {  	v37 =	vld [tilespmem:s26+$0xFFFFF5D0];
	v13 =	vsel vm10, v42, v13;
	v14 =	vsel vm10, v34, v14;
	v34 =	vsel vm9, $0xF149F2CA, v41  }
0x14d: {  	vm10 =	vmand vm8, vm11;
	vm11 =	vgt.f32 v32, $6.999999880e-01;
	[tilespmem:s23+$0xFFFFFFA0] =	vst v34;
	vm9 =	vgt.f32 v34, v13;
	v32 =	vld [tilespmem:s23+$0xFFFFFFD0]  }
0x14e: {  	v38 =	vld [tilespmem:s26+$0xFFFFF850];
	v13 =	vsel vm9, v34, v13;
	v14 =	vsel vm9, v47, v14;
	v34 =	vsel vm10, $0xF149F2CA, v39  }
0x14f: {  	vm10 =	vmand vm8, vm11;
	vm11 =	vgt.f32 v35, $6.999999880e-01;
	[tilespmem:s23+$0xFFFFFFB0] =	vst v34;
	vm9 =	vgt.f32 v34, v13;
	v35 =	vld [tilespmem:s23+$0xFFFFFFE0]  }
0x150: {  	v39 =	vld [tilespmem:s26+$0xFFFFFAD0];
	v13 =	vsel vm9, v34, v13;
	v14 =	vsel vm9, v48, v14;
	v33 =	vsel vm10, $0xF149F2CA, v33  }
0x151: {  	vm10 =	vmand vm8, vm11;
	vm11 =	vgt.f32 v36, $6.999999880e-01;
	v34 =	vld [tilespmem:s26+$0xFFFFFD20];
	[tilespmem:s23+$0xFFFFFFC0] =	vst v33;
	vm9 =	vgt.f32 v33, v13  }
0x152: {  	v36 =	vld [tilespmem:s26+$0xFFFFF340];
	v13 =	vsel vm9, v33, v13;
	v14 =	vsel vm9, v44, v14;
	v32 =	vsel vm10, $0xF149F2CA, v32  }
0x153: {  	vm10 =	vmand vm8, vm11;
	vm11 =	vgt.f32 v20, $6.999999880e-01;
	[tilespmem:s23+$0xFFFFFFD0] =	vst v32;
	vm9 =	vgt.f32 v32, v13;
	v20 =	vld [tilespmem:s23+$0x0]  }
0x154: {  	v33 =	vld [tilespmem:s26+$0xFFFFF5C0];
	v13 =	vsel vm9, v32, v13;
	v14 =	vsel vm9, v45, v14;
	v32 =	vsel vm10, $0xF149F2CA, v35  }
0x155: {  	vm10 =	vmand vm8, vm11;
	vm11 =	vgt.f32 v18, $6.999999880e-01;
	v35 =	vld [tilespmem:s26+$0xFFFFF840];
	[tilespmem:s23+$0xFFFFFFE0] =	vst v32;
	vm9 =	vgt.f32 v32, v13  }
0x156: {  	v15 =	vsel vm10, $0xF149F2CA, v15;
	v18 =	vld [tilespmem:s26+$0xFFFFFAC0];
	v13 =	vsel vm9, v32, v13;
	v14 =	vsel vm9, v43, v14  }
0x157: {  	v41 =	vmax.f32 v19, v4;
	vm10 =	vmand vm8, vm11;
	v32 =	vld [tilespmem:s26+$0xFFFFFD10];
	[tilespmem:s23+$0xFFFFFFF0] =	vst v15;
	vm9 =	vgt.f32 v15, v13  }
0x158: {  	v42 =	vld [tilespmem:s26+$0xFFFFF330];
	v13 =	vsel vm9, v15, v13;
	v14 =	vsel vm9, v31, v14;
	v15 =	vsel vm10, $0xF149F2CA, v20  }
0x159: {  	v43 =	vmin.f32 v25, v7;
	v31 =	vmax.f32 v17, v5;
	v20 =	vld [tilespmem:s26+$0xFFFFF5B0];
	[tilespmem:s23+$0x0] =	vst v15;
	vm9 =	vgt.f32 v15, v13;
	s23 =	smov.u32 s26  }
0x15a: {  	v26 =	vmin.f32 v26, v8;
	v44 =	vld [tilespmem:s26+$0xFFFFF830];
	v13 =	vsel vm9, v15, v13;
	v14 =	vsel vm9, v16, v14  }
0x15b: {  	v16 =	vadd.f32 v27, v6;
	v27 =	vmax.f32 v28, v4;
	v28 =	vmax.f32 v29, v5;
	v15 =	vld [tilespmem:s26+$0xFFFFFAB0]  }
0x15c: {  	v30 =	vmin.f32 v30, v7;
	v45 =	vmin.f32 v51, v8;
	v17 =	vadd.f32 v46, v6;
	v29 =	vld [tilespmem:s26+$0xFFFFF320]  }
0x15d: {  	v40 =	vmax.f32 v40, v4;
	v37 =	vmax.f32 v37, v5;
	v38 =	vmin.f32 v38, v7;
	v46 =	vld [tilespmem:s26+$0xFFFFF5A0]  }
0x15e: {  	v19 =	vadd.f32 v34, v6;
	v34 =	vmax.f32 v36, v4;
	v36 =	vmin.f32 v39, v8;
	v47 =	vld [tilespmem:s26+$0xFFFFF820]  }
0x15f: {  	v33 =	vmax.f32 v33, v5;
	v35 =	vmin.f32 v35, v7;
	v18 =	vmin.f32 v18, v8;
	v39 =	vld [tilespmem:s26+$0xFFFFFAA0]  }
0x160: {  	v25 =	vadd.f32 v32, v6;
	v32 =	vmax.f32 v42, v4;
	v20 =	vmax.f32 v20, v5;
	v48 =	vld [tilespmem:s26+$0xFFFFF310]  }
0x161: {  	v44 =	vmin.f32 v44, v7;
	v15 =	vmin.f32 v15, v8;
	v42 =	vld [tilespmem:s26+$0xFFFFF590];
	v29 =	vmax.f32 v29, v4  }
0x162: {  	v22 =	vsub.f32 v24, v22;
	v21 =	vsub.f32 v23, v21;
	v49 =	vld [tilespmem:s26+$0xFFFFF810];
	v46 =	vmax.f32 v46, v5  }
0x163: {  	v41 =	vsub.f32 v43, v41;
	v31 =	vsub.f32 v26, v31;
	v23 =	vld [tilespmem:s26+$0xFFFFFA90];
	v24 =	vmin.f32 v47, v7  }
0x164: {  	v27 =	vsub.f32 v30, v27;
	v28 =	vsub.f32 v45, v28;
	v26 =	vmin.f32 v39, v8  }
0x165: {  	v38 =	vsub.f32 v38, v40;
	v36 =	vsub.f32 v36, v37;
	v30 =	vmax.f32 v48, v4  }
0x166: {  	v34 =	vsub.f32 v35, v34;
	v18 =	vsub.f32 v18, v33;
	v37 =	vmax.f32 v42, v5  }
0x167: {  	v32 =	vsub.f32 v44, v32;
	v15 =	vsub.f32 v15, v20;
	v33 =	vmin.f32 v49, v7  }
0x168: {  	s25 =	sadd.s32 $0x8, s25;
	v29 =	vsub.f32 v24, v29;
	v35 =	vsub.f32 v26, v46;
	v20 =	vmin.f32 v23, v8  }
0x169: {  	p1 =	slt.u32 s25, $0x20;
	v33 =	vsub.f32 v33, v30;
	v20 =	vsub.f32 v20, v37  }
0x16a: {  	v40 =	vmax.f32 v22, $0.0e+00;
	v39 =	vmax.f32 v21, $0.0e+00;
	v37 =	vmax.f32 v41, $0.0e+00  }
.Ltmp1:
0x16b: {  	v28 =	vmax.f32 v28, $0.0e+00;
	v26 =	vmax.f32 v27, $0.0e+00;
	v41 =	vmax.f32 v31, $0.0e+00;
	(pc) =	sbr.rel @p1 .LBB2_5-.Ltmp1, $4  }
0x16c: {  	v21 =	vmax.f32 v34, $0.0e+00;
	v30 =	vmax.f32 v38, $0.0e+00;
	v31 =	vmax.f32 v36, $0.0e+00  }
0x16d: {  	v22 =	vmax.f32 v32, $0.0e+00;
	v24 =	vmax.f32 v15, $0.0e+00;
	v23 =	vmax.f32 v18, $0.0e+00  }
0x16e: {  	v27 =	vmax.f32 v29, $0.0e+00;
	v29 =	vmax.f32 v35, $0.0e+00;
	v18 =	vmul.f32 v40, v39  }
0x16f: {  	s26 =	sadd.s32 $0x80, s26;
	v32 =	vmax.f32 v33, $0.0e+00;
	v33 =	vmax.f32 v20, $0.0e+00;
	v20 =	vmul.f32 v41, v37;
	v15 =	vld [tilespmem:s23+$0xFFFFFFF0]  }
0x170: {  	v4 =	vmul.f32 v28, v26;
	v5 =	vsub.f32 v11, v18  }
0x171: {  	v6 =	vmul.f32 v33, v32;
	v8 =	vmul.f32 v31, v30;
	v7 =	vsub.f32 v9, v20  }
0x172: {  	v61 =	vmul.f32 v29, v27;
	v59 =	vsub.f32 v10, v4;
	v5 =	vadd.f32 $9.999999710e-10, v5  }
0x173: {  	v63 =	vmul.f32 v24, v22;
	v60 =	vsub.f32 v25, v6;
	v7 =	vadd.f32 $9.999999710e-10, v7  }
0x174: {  	v12 =	vsub.f32 v12, v8;
	v9 =	vadd.f32 $9.999999710e-10, v59;
	(erf) = vrcp.f32 v5  }
0x175: {  	v62 =	vsub.f32 v19, v61;
	v5 =	vadd.f32 $9.999999710e-10, v60;
	(erf) = vrcp.f32 v7  }
0x176: {  	v25 =	vmul.f32 v23, v21;
	v12 =	vadd.f32 $9.999999710e-10, v12;
	(erf) = vrcp.f32 v9  }
0x177: {  	v24 =	vadd.f32 $9.999999710e-10, v62;
	(erf) = vrcp.f32 v5;
	v5 =	vsub.f32 v17, v63  }
0x178: {  	(erf) = vrcp.f32 v12  }
0x179: {  	v26 =	vsub.f32 v16, v25;
	(erf) = vrcp.f32 v24;
	v5 =	vadd.f32 $9.999999710e-10, v5;
	_ =	sdelay $0x1  }
0x17a: {  	(erf) = vrcp.f32 v5;
	v5 =	vadd.f32 $9.999999710e-10, v26;
	_ =	sdelay $0x1  }
0x17b: {  	v27 =	vpop (erf)  }
0x17c: {  	(erf) = vrcp.f32 v5;
	v28 =	vpop (erf)  }
0x17d: {  	v5 =	vpop (erf)  }
0x17e: {  	v30 =	vpop (erf)  }
0x17f: {  	v29 =	vld [tilespmem:s23+$0xFFFFFF90];
	v31 =	vpop (erf)  }
0x180: {  	v32 =	vld [tilespmem:s23+$0xFFFFFFA0];
	v6 =	vmul.f32 v30, v6;
	v33 =	vpop (erf)  }
0x181: {  	v34 =	vmul.f32 v33, v61  }
0x182: {  	vm9 =	vgt.f32 v6, $6.999999880e-01  }
0x183: {  	v36 =	vld [tilespmem:s23+$0xFFFFFFB0];
	vm9 =	vmand vm8, vm9;
	v35 =	vpop (erf);
	vm14 =	vgt.f32 v34, $6.999999880e-01  }
0x184: {  	v16 =	vsel vm9, $0xF149F2CA, v29;
	v37 =	vmul.f32 v35, v63;
	vm9 =	vmand vm8, vm14  }
0x185: {  	v38 =	vld [tilespmem:s23+$0xFFFFFFC0];
	v4 =	vmul.f32 v5, v4;
	v40 =	vpop (erf);
	v39 =	vsel vm9, $0xF149F2CA, v32;
	vm9 =	vgt.f32 v16, v13  }
0x186: {  	vm10 =	vgt.f32 v37, $6.999999880e-01;
	v41 =	vmul.f32 v40, v25;
	v42 =	vsel vm9, v16, v13  }
0x187: {  	v43 =	vld [tilespmem:s23+$0xFFFFFFD0];
	v8 =	vmul.f32 v31, v8;
	vm11 =	vmand vm8, vm10;
	vm10 =	vgt.f32 v39, v42  }
0x188: {  	v44 =	vsel vm11, $0xF149F2CA, v36;
	vm12 =	vgt.f32 v41, $6.999999880e-01;
	v5 =	vsel vm10, v39, v42  }
0x189: {  	v45 =	vld [tilespmem:s23+$0xFFFFFFE0];
	vm12 =	vmand vm8, vm12;
	vm11 =	vgt.f32 v44, v5  }
0x18a: {  	vm13 =	vgt.f32 v8, $6.999999880e-01;
	v7 =	vsel vm12, $0xF149F2CA, v38;
	v5 =	vsel vm11, v44, v5  }
0x18b: {  	v47 =	vmul.f32 v28, v20;
	vm13 =	vmand vm8, vm13;
	vm12 =	vgt.f32 v7, v5  }
0x18c: {  	v46 =	vsel vm13, $0xF149F2CA, v43;
	vm14 =	vgt.f32 v4, $6.999999880e-01;
	v4 =	vsel vm12, v7, v5  }
0x18d: {  	v48 =	vld [tilespmem:s23+$0x0];
	vm15 =	vgt.f32 v47, $6.999999880e-01;
	vm14 =	vmand vm8, vm14;
	vm13 =	vgt.f32 v46, v4  }
0x18e: {  	v6 =	vsel vm14, $0xF149F2CA, v45;
	v5 =	vmul.f32 v27, v18;
	v4 =	vsel vm13, v46, v4  }
0x18f: {  	vm15 =	vmand vm8, vm15;
	vm14 =	vgt.f32 v6, v4  }
0x190: {  	v49 =	vsel vm15, $0xF149F2CA, v15;
	vm15 =	vgt.f32 v5, $6.999999880e-01;
	v4 =	vsel vm14, v6, v4  }
0x191: {  	vm15 =	vmand vm8, vm15;
	vm8 =	vgt.f32 v49, v4  }
0x192: {  	s24 =	sadd.s32 $0x80, s24;
	v5 =	vsel vm15, $0xF149F2CA, v48;
	v4 =	vsel vm8, v49, v4  }
0x193: {  	s25 =	sadd.s32 $0xFFFFFF90, s24;
	vm15 =	vgt.f32 v5, v4  }
0x194: {  	s26 =	sadd.s32 $0xFFFFFFA0, s24;
	v50 =	vor.u32 s25, v0;
	v4 =	vsel vm15, v5, v4  }
0x195: {  	s30 =	sadd.s32 $0xFFFFFFB0, s24;
	v51 =	vor.u32 s26, v0;
	[tilespmem:s23+$0xFFFFFFC0] =	vst v7;
	v7 =	vcvt.s32.f32 v50;
	(xrf0) =	vmax.scan.msk.f32 $0xffff, v4  }
0x196: {  	s31 =	sadd.s32 $0xFFFFFFC0, s24;
	v52 =	vor.u32 s30, v0;
	v9 =	vcvt.s32.f32 v51  }
0x197: {  	s30 =	sadd.s32 $0xFFFFFFD0, s24;
	v53 =	vor.u32 s31, v0;
	v10 =	vcvt.s32.f32 v52;
	v7 =	vsel vm9, v7, v14  }
0x198: {  	s31 =	sadd.s32 $0xFFFFFFE0, s24;
	v54 =	vor.u32 s30, v0;
	v11 =	vcvt.s32.f32 v53;
	v7 =	vsel vm10, v9, v7  }
0x199: {  	s30 =	sadd.s32 $0xFFFFFFF0, s24;
	v55 =	vor.u32 s31, v0;
	v9 =	vcvt.s32.f32 v54;
	v7 =	vsel vm11, v10, v7  }
0x19a: {  	v56 =	vor.u32 s30, v0;
	v10 =	vcvt.s32.f32 v55;
	v7 =	vsel vm12, v11, v7  }
0x19b: {  	v57 =	vor.u32 s24, v0;
	v11 =	vcvt.s32.f32 v56;
	v7 =	vsel vm13, v9, v7;
	v58, _, _ =	vpop (xrf0)  }
0x19c: {  	v12 =	vcvt.s32.f32 v57;
	v7 =	vsel vm14, v10, v7;
	v9 =	vbroadcast v58, $0xF  }
0x19d: {  	v7 =	vsel vm8, v11, v7  }
0x19e: {  	v7 =	vsel vm15, v12, v7;
	vm8 =	veq.f32 v4, v9  }
0x19f: {  	v4 =	vnsel vm8, $0x7149F2CA, v7  }
0x1a0: {  	(xrf0) =	vmin.scan.msk.f32 $0xffff, v4;
	_ =	sdelay $0x5  }
0x1a1: {  	v4, _, _ =	vpop (xrf0)  }
0x1a2: {  	(v2sf) =	vpush v4, $0xF;
	_ =	sdelay $0xe  }
0x1a3: {  	s31 =	spop (v2sf)  }
0x1a4: {  	s24 =	scvt.f32.s32 s31;
	_ =	sdelay $0x1  }
0x1a5: {  	[tilespmem:s23+$0xFFFFFFF0] =	vst v49;
	p1 =	slt.s32 s24, $0x27F  }
0x1a6: {  	[tilespmem:s23+$0xFFFFFF90] =	vst v16;
	s24 =	simm.s32 @!p1 $0x27F  }
0x1a7: {  	[tilespmem:s23+$0xFFFFFFD0] =	vst v46;
	v4 =	vadd.s32 s24, v2  }
0x1a8: {  	[tilespmem:s23+$0xFFFFFFA0] =	vst v39  }
0x1a9: {  	[tilespmem:s23+$0xFFFFFFE0] =	vst v6  }
0x1aa: {  	[tilespmem:s23+$0xFFFFFFB0] =	vst v44  }
0x1ab: {  	[tilespmem:s23+$0x0] =	vst v5  }
0x1ac: {  	v4 =	vld.idx.msk [tilespmem:v4+s13+$0x0], $0xffff;
	_ =	sdelay $0x2  }
0x1ad: {  	s24 =	sadd.s32 s6, s24  }
0x1ae: {  	s25 =	sshll.u32 s22, $0x8;
	s23 =	scvt.s32.f32 s24  }
0x1af: {  	vm8 =	veq.s32 v0, $0x1;
	s24 =	sand.u32 $0x100, s25;
	v4 =	vsel vm4, v9, v4  }
0x1b0: {  	s26 =	sadd.s32 s24, s3;
	v4 =	vsel vm8, s23, v4  }
0x1b1: {  	s24 =	sadd.s32 s14, s26;
	[tilespmem:$0x1B80] =	vst v4  }
0x1b2: {  	[spmem:s24] =	stream.linear.scatter [tilespmem:s15], [sflag:$0x1], $0x10, $0x38;
	[tilespmem:$0x21A0] =	vst v63  }
0x1b3: {  	_ =	swait.ge [sflag:s11], $0x10  }
0x1b4: {  	[sflag:s11] =	ssyncset.done $0x0  }
0x1b5: {  	v4 =	vmul.u32 $0x10, v0;
	[sflag:s11] =	ssyncadd.s32 $0xFFFFFFF0  }
0x1b6: {  	[bflag:$0x0] =	sbarrier.arrive $0xFFFF  }
0x1b7: {  	[tilespmem:s16], [sflag:$0x1] =	stream.linear.gather [spmem:s26], $0x100, $0x38;
	[tilespmem:$0x21A0] =	vst v63  }
0x1b8: {  	_ =	swait.ge [sflag:s11], $0x100  }
0x1b9: {  	[sflag:s11] =	ssyncset.done $0x0  }
0x1ba: {  	[sflag:s11] =	ssyncadd.s32 $0xFFFFFF00  }
0x1bb: {  	v5 =	vld.idx.msk [tilespmem:v4+s16+$0x0], $0xffff;
	_ =	sdelay $0x4  }
0x1bc: {  	v59 =	vsel vm0, $0xF149F2CA, v5  }
0x1bd: {  	v5 =	vnsel vm0, $0xF149F2CA, v5;
	(xrf0) =	vmax.scan.msk.f32 $0xffff, v59  }
0x1be: {  	v4 =	vor.u32 $0x1, v4;
	(xrf0) =	vmax.scan.msk.f32 $0xffff, v5;
	_ =	sdelay $0x4  }
0x1bf: {  	v4 =	vld.idx.msk [tilespmem:v4+s16+$0x0], $0xffff;
	v6, _, _ =	vpop (xrf0)  }
0x1c0: {  	v60, _, _ =	vpop (xrf0)  }
0x1c1: {  	v61 =	vbroadcast v60, $0xF;
	_ =	sdelay $0x1  }
0x1c2: {  	vm8 =	veq.f32 v5, v61  }
0x1c3: {  	v5 =	vnsel vm8, $0x7149F2CA, v4  }
0x1c4: {  	(xrf0) =	vmin.scan.msk.f32 $0xffff, v5;
	_ =	sdelay $0x5  }
0x1c5: {  	v5, _, _ =	vpop (xrf0)  }
0x1c6: {  	v5 =	vbroadcast v5, $0xF;
	_ =	sdelay $0x1  }
0x1c7: {  	vm15 =	veq.f32 v4, v5  }
0x1c8: {  	vm8 =	vmand vm8, vm15  }
0x1c9: {  	v4 =	vnsel vm8, $0x7149F2CA, v3  }
0x1ca: {  	(xrf0) =	vmin.scan.msk.f32 $0xffff, v4;
	_ =	sdelay $0x4  }
0x1cb: {  	(v2sf) =	vpush v6, $0xF  }
0x1cc: {  	(v2sf) =	vpush v60, $0xF;
	v4, _, _ =	vpop (xrf0)  }
0x1cd: {  	(v2sf) =	vpush v4, $0xF;
	_ =	sdelay $0xc  }
0x1ce: {  	s25 =	spop (v2sf)  }
0x1cf: {  	s30 =	spop (v2sf)  }
0x1d0: {  	s31 =	spop (v2sf)  }
0x1d1: {  	s24 =	scvt.f32.s32 s31;
	_ =	sdelay $0x1  }
0x1d2: {  	p1 =	slt.s32 s24, $0xF  }
0x1d3: {  	s24 =	simm.s32 @!p1 $0xF  }
0x1d4: {  	s24 =	sshll.u32 s24, $0x4  }
0x1d5: {  	v4 =	vor.u32 s24, v0;
	_ =	sdelay $0x4  }
0x1d6: {  	v4 =	vld.idx.msk [tilespmem:v4+s16+$0x0], $0xffff;
	_ =	sdelay $0x4  }
0x1d7: {  	(v2sf) =	vpush v4, $0x2  }
0x1d8: {  	(v2sf) =	vpush v4, $0x3  }
0x1d9: {  	(v2sf) =	vpush v4, $0x4  }
0x1da: {  	(v2sf) =	vpush v4, $0x5  }
0x1db: {  	(v2sf) =	vpush v4, $0x6;
	_ =	sdelay $0x3  }
0x1dc: {  	p2 =	slt.s32 s22, s19;
	p1 =	sgt.f32 s30, $-1.000000020e+29  }
0x1dd: {  	s29 =	simm.f32 $1.000000000e+00;
	p3 =	sgt.f32 s25, $-1.000000020e+29;
	s30 =	sadd.s32 $0x1, s22  }
0x1de: {  	p5 =	slt.s32 s30, s19;
	p4 =	slt.s32 s30, s20;
	s29 =	simm.s32 @!p1 $0x0  }
0x1df: {  	p3 =	por !p4, !p3;
	s29 =	simm.s32 @!p2 $0x0;
	p2 =	por !p5, !p1;
	v5 =	vbroadcast v4, $0x2  }
0x1e0: {  	p3 =	por !p3, !p3;
	p2 =	por !p2, !p2;
	v62 =	vbroadcast v4, $0x3  }
0x1e1: {  	p6 =	sgt.u32 s22, $0x2F;
	p2 =	por p2, p3;
	v63 =	vbroadcast v4, $0x4;
	v5 =	vnsel vm4, $0x0, v5  }
0x1e2: {  	p2 =	por p6, !p2;
	v5 =	vsel vm5, v5, v62;
	v4 =	vbroadcast v4, $0x5  }
.Ltmp2:
0x1e3: {  	v5 =	vsel vm6, v5, v63;
	s26 =	spop (v2sf);
	(pc) =	sbr.rel @!p2 .LBB2_4-.Ltmp2, $4  }
0x1e4: {  	v4 =	vsel vm7, v5, v4;
	s24 =	spop (v2sf)  }
0x1e5: {  	s25 =	sshll.u32 s22, $0x6;
	s31 =	simm.s32 $0x1;
	v4 =	vmul.f32 s29, v4;
	s23 =	spop (v2sf)  }
0x1e6: {  	s25 =	sshra.s32 s25, $0x2;
	s31 =	simm.s32 @!p1 $0x0;
	s28 =	spop (v2sf)  }
0x1e7: {  	s22 =	smov.u32 s30;
	s21 =	sadd.s32 s31, s21;
	[tilespmem:s25+$0x1D00] =	vst v4;
	s29 =	spop (v2sf)  }
0x1e8: {  	p1 =	slt.s32 s21, s19;
	v4 =	vor.u32 $0x320, v0  }
0x1e9: {  	s19 =	smov.u32 @p1 s21  }
0x1ea: {  	s19 =	scvt.s32.f32 s19;
	_ =	sdelay $0x1  }
0x1eb: {  	s20 =	simm.s32 @!p0 $0x200;
	s18 =	sadd.s32 $0x1, s18;
	v5 =	vmov s19  }
0x1ec: {  	s21 =	simm.s32 @!p0 $0x1D00;
	p1 =	sne.s32 s18, s8;
	s19 =	simm.s32 @!p0 $0x80;
	[tilespmem:v4+s17+$0x0] =	vst.idx.msk $0xffff, v5  }
0x1ed: {  	[hbm4b:s7+s19] =	stream.strided.scatter @!p0 [tilespmem:s21], [sflag:$0x1], $0x400, s20, s19, $0x38;
	[tilespmem:$0x21A0] =	vst v63  }
.Ltmp3:
0x1ee: {  	_ = 	snop;
	(pc) =	sbr.rel @p1 .LBB2_1-.Ltmp3, $4  }
0x1ef: {  	s19 =	simm.s32 @!p0 $0x1  }
0x1f0: {  	_ =	swait.ge @!p0 [sflag:s19], $0x400  }
0x1f1: {  	[sflag:s19] =	ssyncset.done @!p0 $0x0  }
0x1f2: {  	[sflag:s19] =	ssyncadd.s32 @!p0 $0xFFFFFC00  }
0x1f3: {  	_ =	sfence.sel $0x180000  }
0x1f4: {  	[bflag:$0x0] =	sbarrier.arrive $0xFFFF  }
0x1f5: {  	p0 =	sne.s32 s0, $0x0;
	_ =	strace $0x90000047  }
0x1f6: {  	s0 =	sadd.s32 @!p0 $0x100000, s2;
	[bflag:$0x2] =	sbarrier.arrive $0xFFFF  }
0x1f7: {  	[sflag:s0] =	ssyncadd.tile.s32 @!p0 $0x1;
	_ =	shalt  }
.Lfunc_end2:
_tile_overlayer_lowered:
.L_overlay_start_2:
0x1f8: {  	(tag) =	ssettag $0x2  }
0x1f9: {  	s0 =	rddreg [dreg:$0x0];
	s2 =	stileid.u32  }
0x1fa: {  	s1 =	rddreg [dreg:$0x1];
	p0 =	sne.s32 s2, $0x0  }
0x1fb: {  	s3 =	rddreg [dreg:$0x2];
	[bflag:$0x3] =	sbarrier.arrive $0xFFFF;
	s2 =	simm.s32 @!p0 $0x1C01  }
0x1fc: {  	[timem:s3], [sflag:s2] =	dma.local @!p0 [hbm:s0], s1  }
0x1fd: {  	s0 =	simm.s32 @!p0 $0x1  }
0x1fe: {  	_ =	swait.ge @!p0 [sflag:s0], s1  }
0x1ff: {  	s1 =	ssub.s32 @!p0 $0x0, s1;
	[sflag:s0] =	ssyncset.done @!p0 $0x0  }
0x200: {  	[sflag:s0] =	ssyncadd.s32 @!p0 s1  }
0x201: {  	[bflag:$0x3] =	sbarrier.arrive $0xFFFF  }
0x202: {  	_ =	shalt  }

</sc_bundles>
